<compile_context>
chip_gen: v7x
topology: tpu7x:2x2x1
jax: 0.10.2.dev20260603
libtpu: 0.0.44.dev20260713+nightly
codegen_flags: <defaults>
</compile_context>

<pallas_src>
import functools

import jax
import jax.numpy as jnp
from jax import lax
from jax.experimental import pallas as pl
from jax.experimental.pallas import tpu as pltpu
from jax.experimental.pallas import tpu_sc as plsc

N = 10000
NP = 10240
D = 256
HD = 128
E = 160000
E_A = 163840
E_B = 163840
CH = 64
NCH = 160
NST = 4
NS = NCH // NST
BR = 1024
GRID = NP // BR

@functools.cache
def _get_sc_counts():
    mesh = plsc.VectorSubcoreMesh(core_axis_name="c", subcore_axis_name="s")
    return pl.kernel(
        _sc_counts_body,
        out_type=jax.ShapeDtypeStruct((2, NP), jnp.float32),
        mesh=mesh,
        scratch_types=[
            pltpu.VMEM((40, 128), jnp.int32),
            pltpu.VMEM((128,), jnp.float32),
            pltpu.VMEM((640,), jnp.float32),
            pltpu.VMEM_SHARED((NP,), jnp.float32),
        ],
    )


def _sc_counts_body(row_hbm, out_hbm, idx_v, ones_v, z_v, counts_sh):
    c = lax.axis_index("c")
    s = lax.axis_index("s")
    wid = s * 2 + c

    @pl.loop(0, 640, step=16)
    def _(k):
        z_v[pl.ds(k, 16)] = jnp.zeros((16,), jnp.float32)

    @pl.loop(0, 128, step=16)
    def _(k):
        ones_v[pl.ds(k, 16)] = jnp.ones((16,), jnp.float32)

    pltpu.sync_copy(z_v, counts_sh.at[pl.ds(s * 640, 640)])
    plsc.subcore_barrier()

    pltpu.sync_copy(row_hbm.at[wid], idx_v)

    @pl.loop(0, 40)
    def _(j):
        pltpu.sync_copy(ones_v, counts_sh.at[idx_v.at[j]], add=True)

    plsc.subcore_barrier()
    pltpu.sync_copy(counts_sh.at[pl.ds(s * 640, 640)],
                    out_hbm.at[c].at[pl.ds(s * 640, 640)])


@functools.cache
def _get_sc_spmm():
    mesh = plsc.VectorSubcoreMesh(core_axis_name="c", subcore_axis_name="s")
    return pl.kernel(
        _sc_spmm_body,
        out_type=jax.ShapeDtypeStruct((2, NP, HD), jnp.float32),
        mesh=mesh,
        scratch_types=[
            pltpu.VMEM((NS, CH), jnp.int32),
            pltpu.VMEM((NS, CH), jnp.int32),
            pltpu.VMEM((4, CH, HD), jnp.float32),
            pltpu.VMEM_SHARED((NP, HD), jnp.float32),
            pltpu.SemaphoreType.DMA,
            pltpu.SemaphoreType.DMA,
            pltpu.SemaphoreType.DMA,
            pltpu.SemaphoreType.DMA,
            pltpu.SemaphoreType.DMA,
            pltpu.SemaphoreType.DMA,
            pltpu.SemaphoreType.DMA,
            pltpu.SemaphoreType.DMA,
        ],
    )


def _sc_spmm_body(p0_hbm, p1_hbm, row_hbm, col_hbm, out_hbm,
                  ridx, cidx, fbuf, accum,
                  gsem0, gsem1, gsem2, gsem3, ssem0, ssem1, ssem2, ssem3):
    c = lax.axis_index("c")
    s = lax.axis_index("s")

    @pl.loop(0, CH)
    def _(r):
        @pl.loop(0, HD, step=16)
        def _(k):
            fbuf[0, r, pl.ds(k, 16)] = jnp.zeros((16,), jnp.float32)

    @pl.loop(0, 640 // CH)
    def _(t):
        pltpu.sync_copy(fbuf.at[0], accum.at[pl.ds(s * 640 + t * CH, CH)])

    plsc.subcore_barrier()

    def run_half(p_hbm):
        gsems = (gsem0, gsem1, gsem2, gsem3)
        ssems = (ssem0, ssem1, ssem2, ssem3)

        def gather(j, b):
            pltpu.make_async_copy(p_hbm.at[cidx.at[j]], fbuf.at[b],
                                  gsems[b]).start()

        def gwait(j, b):
            pltpu.make_async_copy(p_hbm.at[cidx.at[j]], fbuf.at[b],
                                  gsems[b]).wait()

        def scat(j, b):
            pltpu.async_copy(fbuf.at[b], accum.at[ridx.at[j]], ssems[b],
                             add=True)

        def swait(j, b):
            pltpu.make_async_copy(fbuf.at[b], accum.at[ridx.at[j]],
                                  ssems[b]).wait()

        def sscat(j, b):
            pltpu.sync_copy(fbuf.at[b], accum.at[ridx.at[j]], add=True)

        @pl.loop(0, NST)
        def _(st):
            pltpu.sync_copy(row_hbm.at[s].at[st], ridx)
            pltpu.sync_copy(col_hbm.at[s].at[st], cidx)

            gather(0, 0)
            gather(1, 1)

            @pl.loop(0, (NS - 2) // 2)
            def _(t):
                j = t * 2
                gwait(j, 0)
                sscat(j, 0)
                gather(j + 2, 0)
                gwait(j + 1, 1)
                sscat(j + 1, 1)
                gather(j + 3, 1)

            gwait(NS - 2, 0)
            sscat(NS - 2, 0)
            gwait(NS - 1, 1)
            sscat(NS - 1, 1)

    @pl.when(c == 0)
    def _():
        run_half(p0_hbm)

    @pl.when(c == 1)
    def _():
        run_half(p1_hbm)

    plsc.subcore_barrier()
    pltpu.sync_copy(accum.at[pl.ds(s * 640, 640)],
                    out_hbm.at[c].at[pl.ds(s * 640, 640)])


def _tc_linear_body(x_ref, w_ref, c0_ref, c1_ref, hp0_ref, hp1_ref, dis_ref):
    deg = c0_ref[...] + c1_ref[...] + 1.0
    dis = lax.rsqrt(deg)
    dis_ref[...] = dis
    h = jnp.dot(x_ref[...], w_ref[...], preferred_element_type=jnp.float32)
    hp = h * dis
    hp0_ref[...] = hp[:, :HD]
    hp1_ref[...] = hp[:, HD:]


_tc_linear = pl.pallas_call(
    _tc_linear_body,
    grid=(GRID,),
    in_specs=[
        pl.BlockSpec((BR, D), lambda i: (i, 0)),
        pl.BlockSpec((D, D), lambda i: (0, 0)),
        pl.BlockSpec((BR, 1), lambda i: (i, 0)),
        pl.BlockSpec((BR, 1), lambda i: (i, 0)),
    ],
    out_specs=[
        pl.BlockSpec((BR, HD), lambda i: (i, 0)),
        pl.BlockSpec((BR, HD), lambda i: (i, 0)),
        pl.BlockSpec((BR, 1), lambda i: (i, 0)),
    ],
    out_shape=[
        jax.ShapeDtypeStruct((NP, HD), jnp.float32),
        jax.ShapeDtypeStruct((NP, HD), jnp.float32),
        jax.ShapeDtypeStruct((NP, 1), jnp.float32),
    ],
)


def _tc_mlp_body(hp0_ref, hp1_ref, agg_ref, dis_ref, w1_ref, b1_ref,
                 w2_ref, b2_ref, out_ref):
    dis = dis_ref[...]
    t0 = (hp0_ref[...] + agg_ref[0]) * dis
    t1 = (hp1_ref[...] + agg_ref[1]) * dis
    t = jnp.concatenate([t0, t1], axis=1)
    z = jnp.dot(t, w1_ref[...], preferred_element_type=jnp.float32) + b1_ref[...]
    z = jnp.maximum(z, 0.0)
    out_ref[...] = (jnp.dot(z, w2_ref[...], preferred_element_type=jnp.float32)
                    + b2_ref[...])


_tc_mlp = pl.pallas_call(
    _tc_mlp_body,
    grid=(GRID,),
    in_specs=[
        pl.BlockSpec((BR, HD), lambda i: (i, 0)),
        pl.BlockSpec((BR, HD), lambda i: (i, 0)),
        pl.BlockSpec((2, BR, HD), lambda i: (0, i, 0)),
        pl.BlockSpec((BR, 1), lambda i: (i, 0)),
        pl.BlockSpec((D, D), lambda i: (0, 0)),
        pl.BlockSpec((1, D), lambda i: (0, 0)),
        pl.BlockSpec((D, D), lambda i: (0, 0)),
        pl.BlockSpec((1, D), lambda i: (0, 0)),
    ],
    out_specs=pl.BlockSpec((BR, D), lambda i: (i, 0)),
    out_shape=jax.ShapeDtypeStruct((NP, D), jnp.float32),
)


def kernel(x, edge_index, W_gcn, W1, b1, W2, b2):
    row = edge_index[0]
    col = edge_index[1]
    row_a = jnp.concatenate(
        [row, jnp.full((E_A - E,), N, jnp.int32)]).reshape(32, 40, 128)
    row_b = jnp.concatenate(
        [row, jnp.full((E_B - E,), N, jnp.int32)]).reshape(16, NST, NS, CH)
    col_b = jnp.concatenate(
        [col, jnp.zeros((E_B - E,), jnp.int32)]).reshape(16, NST, NS, CH)
    x_pad = jnp.pad(x, ((0, NP - N), (0, 0)))

    counts2 = _get_sc_counts()(row_a)
    c0 = counts2[0].reshape(NP, 1)
    c1 = counts2[1].reshape(NP, 1)
    hp0, hp1, dis = _tc_linear(x_pad, W_gcn, c0, c1)
    agg = _get_sc_spmm()(hp0, hp1, row_b, col_b)
    out = _tc_mlp(hp0, hp1, agg, dis, W1, b1.reshape(1, D), W2,
                  b2.reshape(1, D))
    return out[:N]

# --- scband reference (transcript-rebuilt; emitter-appended) ---
"""Pipeline reference for scband-graph-convolutional-network-6820408066116 (READ-ONLY COPY).

The authoritative reference and input builder live on the scoring server;
editing this copy changes nothing except your own understanding.
"""

import jax, jax.numpy as jnp
import numpy as np

N = 10000
E = 160000
D = 256
H = 256
O = 256


def setup_inputs(seed: int = 0) -> dict:
    key = jax.random.key(seed)
    k1, k2, k3, k4, k5, k6, k7 = jax.random.split(key, 7)
    x = jax.random.normal(k1, (N, D), dtype=jnp.float32)
    edge_index = jax.random.randint(k2, (2, E), 0, N, dtype=jnp.int32)
    # GCN weight: xavier uniform
    bound_g = float(np.sqrt(6.0 / (D + H)))
    W_gcn = jax.random.uniform(k3, (D, H), jnp.float32, -bound_g, bound_g)
    # Linear layers (torch default kaiming-uniform-ish bounds)
    b1lim = float(1.0 / np.sqrt(H))
    W1 = jax.random.uniform(k4, (H, H), jnp.float32, -b1lim, b1lim)
    b1 = jax.random.uniform(k5, (H,), jnp.float32, -b1lim, b1lim)
    b2lim = float(1.0 / np.sqrt(H))
    W2 = jax.random.uniform(k6, (H, O), jnp.float32, -b2lim, b2lim)
    b2 = jax.random.uniform(k7, (O,), jnp.float32, -b2lim, b2lim)
    return {"x": x, "edge_index": edge_index, "W_gcn": W_gcn, "W1": W1, "b1": b1, "W2": W2, "b2": b2}


def reference(x, edge_index, W_gcn, W1, b1, W2, b2):
    num_nodes = x.shape[0]
    self_loop = jnp.arange(num_nodes, dtype=edge_index.dtype)
    ei = jnp.concatenate([edge_index, jnp.stack([self_loop, self_loop], axis=0)], axis=1)
    row, col = ei[0], ei[1]
    # degree via scatter-add of ones
    deg = jax.ops.segment_sum(jnp.ones(row.shape[0], dtype=x.dtype), row, num_segments=num_nodes)
    deg_inv_sqrt = deg ** -0.5
    deg_inv_sqrt = jnp.where(jnp.isinf(deg_inv_sqrt), 0.0, deg_inv_sqrt)
    norm = deg_inv_sqrt[row] * deg_inv_sqrt[col]
    # x @ W then spmm(A_norm, x): gather cols, scale, scatter-add into rows
    h = x @ W_gcn
    h = jax.ops.segment_sum(norm[:, None] * jnp.take(h, col, axis=0), row, num_segments=num_nodes)
    # MLP head (dropout is identity in eval mode)
    h = h @ W1 + b1
    h = jax.nn.relu(h)
    out = h @ W2 + b2
    return out

if __name__ == "__main__":
    import jax
    _d = setup_inputs()
    print(jax.jit(kernel)(*tuple(_d.values())))

</pallas_src>

<mosaic_0001>
#map = affine_map<(d0, d1) -> (0, 0, 0)>
#map1 = affine_map<(d0, d1) -> (0, 0)>
module attributes {stable_mosaic.version = 14 : i64} {
  func.func @_sc_counts_body(%arg0: i32, %arg1: i32, %arg2: memref<32x40x128xi32, #tpu.memory_space<hbm>>, %arg3: memref<2x10240xf32, #tpu.memory_space<hbm>>, %arg4: memref<40x128xi32, #tpu.memory_space<vmem>>, %arg5: memref<128xf32, #tpu.memory_space<vmem>>, %arg6: memref<640xf32, #tpu.memory_space<vmem>>, %arg7: memref<10240xf32, #tpu.memory_space<vmem_shared>>) attributes {dimension_semantics = [#tpu.dimension_semantics<core_parallel>, #tpu.dimension_semantics<subcore_parallel>], iteration_bounds = array<i64: 2, 16>, scalar_prefetch = 0 : i64, scratch_operands = 4 : i64, tpu.core_type = #tpu.core_type<sc_vector_subcore>, window_params = [{transform_indices = #map}, {transform_indices = #map1}]} {
    %mul3A = arith.constant 2 : i32
    %mul3A_0 = arith.muli %arg1, %mul3A : i32
    %add3A = arith.addi %mul3A_0, %arg0 : i32
    %scan3A = arith.constant 0 : i32
    %scan3A_1 = arith.constant 40 : i32
    %scan3A_2 = arith.addi %scan3A, %scan3A_1 : i32
    %scan3A_3 = arith.constant 1 : i32
    scf.for %scan3A_22 = %scan3A to %scan3A_2 step %scan3A_3  : i32 {
      %mul3A_23 = arith.constant 16 : i32
      %mul3A_24 = arith.muli %scan3A_22, %mul3A_23 : i32
      %add3A_25 = arith.constant 0 : i32
      %add3A_26 = arith.addi %add3A_25, %mul3A_24 : i32
      %broadcast_in_dim3A = arith.constant 0.000000e+00 : f32
      %broadcast_in_dim3A_27 = vector.broadcast %broadcast_in_dim3A : f32 to vector<16xf32>
      %swap3A = arith.index_cast %add3A_26 : i32 to index
      %swap3A_28 = tpu.vector_load %arg6[%swap3A] {strides = array<i32>} : memref<640xf32, #tpu.memory_space<vmem>>, vector<16xf32>,
      %swap3A_29 = vector.shape_cast %swap3A_28 : vector<16xf32> to vector<16xf32>
      %swap3A_30 = vector.shape_cast %broadcast_in_dim3A_27 : vector<16xf32> to vector<16xf32>
      tpu.vector_store %arg6[%swap3A], %swap3A_30 {strides = array<i32>} : memref<640xf32, #tpu.memory_space<vmem>>, vector<16xf32>,
    }
    %scan3A_4 = arith.constant 40 : i32
    %scan3A_5 = arith.constant 0 : i32
    %scan3A_6 = arith.constant 8 : i32
    %scan3A_7 = arith.addi %scan3A_5, %scan3A_6 : i32
    %scan3A_8 = arith.constant 1 : i32
    scf.for %scan3A_22 = %scan3A_5 to %scan3A_7 step %scan3A_8  : i32 {
      %mul3A_23 = arith.constant 16 : i32
      %mul3A_24 = arith.muli %scan3A_22, %mul3A_23 : i32
      %add3A_25 = arith.constant 0 : i32
      %add3A_26 = arith.addi %add3A_25, %mul3A_24 : i32
      %broadcast_in_dim3A = arith.constant 1.000000e+00 : f32
      %broadcast_in_dim3A_27 = vector.broadcast %broadcast_in_dim3A : f32 to vector<16xf32>
      %swap3A = arith.index_cast %add3A_26 : i32 to index
      %swap3A_28 = tpu.vector_load %arg5[%swap3A] {strides = array<i32>} : memref<128xf32, #tpu.memory_space<vmem>>, vector<16xf32>,
      %swap3A_29 = vector.shape_cast %swap3A_28 : vector<16xf32> to vector<16xf32>
      %swap3A_30 = vector.shape_cast %broadcast_in_dim3A_27 : vector<16xf32> to vector<16xf32>
      tpu.vector_store %arg5[%swap3A], %swap3A_30 {strides = array<i32>} : memref<128xf32, #tpu.memory_space<vmem>>, vector<16xf32>,
    }
    %scan3A_9 = arith.constant 8 : i32
    %mul3A_10 = arith.constant 640 : i32
    %mul3A_11 = arith.muli %arg1, %mul3A_10 : i32
    "tpu.region"() ({
      %run_scoped3A = tpu.sem_alloc : memref<!tpu.dma_semaphore, #tpu.memory_space<semaphore_mem>>
      %dma_start3A = tpu.memref_slice %arg7[%mul3A_11] : memref<10240xf32, #tpu.memory_space<vmem_shared>> -> memref<640xf32, #tpu.memory_space<vmem_shared>>
      %dma_start3A_22 = tpu.memref_slice %arg7[%mul3A_11] : memref<10240xf32, #tpu.memory_space<vmem_shared>> -> memref<640xf32, #tpu.memory_space<vmem_shared>>
      tpu.enqueue_dma source(%arg6 : memref<640xf32, #tpu.memory_space<vmem>>) target(%dma_start3A_22 : memref<640xf32, #tpu.memory_space<vmem_shared>>) target_semaphore(%run_scoped3A : memref<!tpu.dma_semaphore, #tpu.memory_space<semaphore_mem>>)
      %dma_wait3A = tpu.memref_slice %arg7[%mul3A_11] : memref<10240xf32, #tpu.memory_space<vmem_shared>> -> memref<640xf32, #tpu.memory_space<vmem_shared>>
      %dma_wait3A_23 = tpu.memref_slice %arg7[%mul3A_11] : memref<10240xf32, #tpu.memory_space<vmem_shared>> -> memref<640xf32, #tpu.memory_space<vmem_shared>>
      tpu.wait_dma2 semaphore(%run_scoped3A : memref<!tpu.dma_semaphore, #tpu.memory_space<semaphore_mem>>) src(%arg6 : memref<640xf32, #tpu.memory_space<vmem>>) dst(%dma_wait3A_23 : memref<640xf32, #tpu.memory_space<vmem_shared>>)
      tpu.yield
    }) : () -> ()
    %barrier3A = arith.constant 0 : index
    tpu.barrier barrier_id(%barrier3A)
    "tpu.region"() ({
      %run_scoped3A = tpu.sem_alloc : memref<!tpu.dma_semaphore, #tpu.memory_space<semaphore_mem>>
      %dma_start3A = arith.constant 0 : i32
      %dma_start3A_22 = arith.constant 0 : i32
      %dma_start3A_23 = tpu.memref_slice %arg2[%add3A, %dma_start3A, %dma_start3A_22] : memref<32x40x128xi32, #tpu.memory_space<hbm>> -> memref<1x40x128xi32, #tpu.memory_space<hbm>>
      %dma_start3A_24 = tpu.memref_squeeze %dma_start3A_23 : memref<1x40x128xi32, #tpu.memory_space<hbm>> -> memref<40x128xi32, #tpu.memory_space<hbm>>
      %dma_start3A_25 = arith.constant 0 : i32
      %dma_start3A_26 = arith.constant 0 : i32
      %dma_start3A_27 = tpu.memref_slice %arg2[%add3A, %dma_start3A_25, %dma_start3A_26] : memref<32x40x128xi32, #tpu.memory_space<hbm>> -> memref<1x40x128xi32, #tpu.memory_space<hbm>>
      %dma_start3A_28 = tpu.memref_squeeze %dma_start3A_27 : memref<1x40x128xi32, #tpu.memory_space<hbm>> -> memref<40x128xi32, #tpu.memory_space<hbm>>
      tpu.enqueue_dma source(%dma_start3A_28 : memref<40x128xi32, #tpu.memory_space<hbm>>) target(%arg4 : memref<40x128xi32, #tpu.memory_space<vmem>>) target_semaphore(%run_scoped3A : memref<!tpu.dma_semaphore, #tpu.memory_space<semaphore_mem>>)
      %dma_wait3A = arith.constant 0 : i32
      %dma_wait3A_29 = arith.constant 0 : i32
      %dma_wait3A_30 = tpu.memref_slice %arg2[%add3A, %dma_wait3A, %dma_wait3A_29] : memref<32x40x128xi32, #tpu.memory_space<hbm>> -> memref<1x40x128xi32, #tpu.memory_space<hbm>>
      %dma_wait3A_31 = tpu.memref_squeeze %dma_wait3A_30 : memref<1x40x128xi32, #tpu.memory_space<hbm>> -> memref<40x128xi32, #tpu.memory_space<hbm>>
      %dma_wait3A_32 = arith.constant 0 : i32
      %dma_wait3A_33 = arith.constant 0 : i32
      %dma_wait3A_34 = tpu.memref_slice %arg2[%add3A, %dma_wait3A_32, %dma_wait3A_33] : memref<32x40x128xi32, #tpu.memory_space<hbm>> -> memref<1x40x128xi32, #tpu.memory_space<hbm>>
      %dma_wait3A_35 = tpu.memref_squeeze %dma_wait3A_34 : memref<1x40x128xi32, #tpu.memory_space<hbm>> -> memref<40x128xi32, #tpu.memory_space<hbm>>
      tpu.wait_dma2 semaphore(%run_scoped3A : memref<!tpu.dma_semaphore, #tpu.memory_space<semaphore_mem>>) src(%dma_wait3A_35 : memref<40x128xi32, #tpu.memory_space<hbm>>) dst(%arg4 : memref<40x128xi32, #tpu.memory_space<vmem>>)
      tpu.yield
    }) : () -> ()
    %scan3A_12 = arith.constant 0 : i32
    %scan3A_13 = arith.constant 40 : i32
    %scan3A_14 = arith.addi %scan3A_12, %scan3A_13 : i32
    %scan3A_15 = arith.constant 1 : i32
    scf.for %scan3A_22 = %scan3A_12 to %scan3A_14 step %scan3A_15  : i32 {
      %mul3A_23 = arith.constant 1 : i32
      %mul3A_24 = arith.muli %scan3A_22, %mul3A_23 : i32
      %add3A_25 = arith.constant 0 : i32
      %add3A_26 = arith.addi %add3A_25, %mul3A_24 : i32
      "tpu.region"() ({
        %run_scoped3A = tpu.sem_alloc : memref<!tpu.dma_semaphore, #tpu.memory_space<semaphore_mem>>
        %dma_start3A = arith.constant 0 : i32
        %dma_start3A_27 = tpu.memref_slice %arg4[%add3A_26, %dma_start3A] : memref<40x128xi32, #tpu.memory_space<vmem>> -> memref<1x128xi32, #tpu.memory_space<vmem>>
        %dma_start3A_28 = tpu.memref_squeeze %dma_start3A_27 : memref<1x128xi32, #tpu.memory_space<vmem>> -> memref<128xi32, #tpu.memory_space<vmem>>
        %dma_start3A_29 = arith.constant 0 : i32
        %dma_start3A_30 = tpu.memref_slice %arg7[%dma_start3A_29] : memref<10240xf32, #tpu.memory_space<vmem_shared>> -> memref<10240xf32, #tpu.memory_space<vmem_shared>>
        tpu.enqueue_indirect_dma source(%arg5 : memref<128xf32, #tpu.memory_space<vmem>>) target(%dma_start3A_30 : memref<10240xf32, #tpu.memory_space<vmem_shared>>) offsets(%dma_start3A_28 : memref<128xi32, #tpu.memory_space<vmem>>) semaphore(%run_scoped3A : memref<!tpu.dma_semaphore, #tpu.memory_space<semaphore_mem>>) {add = true}
        %dma_wait3A = arith.constant 0 : i32
        %dma_wait3A_31 = tpu.memref_slice %arg4[%add3A_26, %dma_wait3A] : memref<40x128xi32, #tpu.memory_space<vmem>> -> memref<1x128xi32, #tpu.memory_space<vmem>>
        %dma_wait3A_32 = tpu.memref_squeeze %dma_wait3A_31 : memref<1x128xi32, #tpu.memory_space<vmem>> -> memref<128xi32, #tpu.memory_space<vmem>>
        %dma_wait3A_33 = arith.constant 0 : i32
        %dma_wait3A_34 = tpu.memref_slice %arg7[%dma_wait3A_33] : memref<10240xf32, #tpu.memory_space<vmem_shared>> -> memref<10240xf32, #tpu.memory_space<vmem_shared>>
        tpu.wait_indirect_dma semaphore(%run_scoped3A : memref<!tpu.dma_semaphore, #tpu.memory_space<semaphore_mem>>) src(%arg5 : memref<128xf32, #tpu.memory_space<vmem>>) dst(%dma_wait3A_34 : memref<10240xf32, #tpu.memory_space<vmem_shared>>)
        tpu.yield
      }) : () -> ()
    }
    %scan3A_16 = arith.constant 40 : i32
    %barrier3A_17 = arith.constant 0 : index
    tpu.barrier barrier_id(%barrier3A_17)
    %mul3A_18 = arith.constant 640 : i32
    %mul3A_19 = arith.muli %arg1, %mul3A_18 : i32
    %mul3A_20 = arith.constant 640 : i32
    %mul3A_21 = arith.muli %arg1, %mul3A_20 : i32
    "tpu.region"() ({
      %run_scoped3A = tpu.sem_alloc : memref<!tpu.dma_semaphore, #tpu.memory_space<semaphore_mem>>
      %dma_start3A = arith.constant 0 : i32
      %dma_start3A_22 = tpu.memref_slice %arg3[%arg0, %dma_start3A] : memref<2x10240xf32, #tpu.memory_space<hbm>> -> memref<1x10240xf32, #tpu.memory_space<hbm>>
      %dma_start3A_23 = tpu.memref_squeeze %dma_start3A_22 : memref<1x10240xf32, #tpu.memory_space<hbm>> -> memref<10240xf32, #tpu.memory_space<hbm>>
      %dma_start3A_24 = tpu.memref_slice %dma_start3A_23[%mul3A_21] : memref<10240xf32, #tpu.memory_space<hbm>> -> memref<640xf32, #tpu.memory_space<hbm>>
      %dma_start3A_25 = tpu.memref_slice %arg7[%mul3A_19] : memref<10240xf32, #tpu.memory_space<vmem_shared>> -> memref<640xf32, #tpu.memory_space<vmem_shared>>
      tpu.enqueue_dma source(%dma_start3A_25 : memref<640xf32, #tpu.memory_space<vmem_shared>>) target(%dma_start3A_24 : memref<640xf32, #tpu.memory_space<hbm>>) target_semaphore(%run_scoped3A : memref<!tpu.dma_semaphore, #tpu.memory_space<semaphore_mem>>)
      %dma_wait3A = arith.constant 0 : i32
      %dma_wait3A_26 = tpu.memref_slice %arg3[%arg0, %dma_wait3A] : memref<2x10240xf32, #tpu.memory_space<hbm>> -> memref<1x10240xf32, #tpu.memory_space<hbm>>
      %dma_wait3A_27 = tpu.memref_squeeze %dma_wait3A_26 : memref<1x10240xf32, #tpu.memory_space<hbm>> -> memref<10240xf32, #tpu.memory_space<hbm>>
      %dma_wait3A_28 = tpu.memref_slice %dma_wait3A_27[%mul3A_21] : memref<10240xf32, #tpu.memory_space<hbm>> -> memref<640xf32, #tpu.memory_space<hbm>>
      %dma_wait3A_29 = tpu.memref_slice %arg7[%mul3A_19] : memref<10240xf32, #tpu.memory_space<vmem_shared>> -> memref<640xf32, #tpu.memory_space<vmem_shared>>
      tpu.wait_dma2 semaphore(%run_scoped3A : memref<!tpu.dma_semaphore, #tpu.memory_space<semaphore_mem>>) src(%dma_wait3A_29 : memref<640xf32, #tpu.memory_space<vmem_shared>>) dst(%dma_wait3A_28 : memref<640xf32, #tpu.memory_space<hbm>>)
      tpu.yield
    }) : () -> ()
    return
  }
}

#map = affine_map<(d0, d1) -> (0, 0)>
#map1 = affine_map<(d0, d1) -> (0, 0, 0, 0)>
#map2 = affine_map<(d0, d1) -> (0, 0, 0)>
module attributes {stable_mosaic.version = 14 : i64} {
  func.func @_sc_spmm_body(%arg0: i32, %arg1: i32, %arg2: memref<10240x128xf32, #tpu.memory_space<hbm>>, %arg3: memref<10240x128xf32, #tpu.memory_space<hbm>>, %arg4: memref<16x4x40x64xi32, #tpu.memory_space<hbm>>, %arg5: memref<16x4x40x64xi32, #tpu.memory_space<hbm>>, %arg6: memref<2x10240x128xf32, #tpu.memory_space<hbm>>, %arg7: memref<40x64xi32, #tpu.memory_space<vmem>>, %arg8: memref<40x64xi32, #tpu.memory_space<vmem>>, %arg9: memref<4x64x128xf32, #tpu.memory_space<vmem>>, %arg10: memref<10240x128xf32, #tpu.memory_space<vmem_shared>>, %arg11: memref<!tpu.dma_semaphore, #tpu.memory_space<semaphore_mem>>, %arg12: memref<!tpu.dma_semaphore, #tpu.memory_space<semaphore_mem>>, %arg13: memref<!tpu.dma_semaphore, #tpu.memory_space<semaphore_mem>>, %arg14: memref<!tpu.dma_semaphore, #tpu.memory_space<semaphore_mem>>, %arg15: memref<!tpu.dma_semaphore, #tpu.memory_space<semaphore_mem>>, %arg16: memref<!tpu.dma_semaphore, #tpu.memory_space<semaphore_mem>>, %arg17: memref<!tpu.dma_semaphore, #tpu.memory_space<semaphore_mem>>, %arg18: memref<!tpu.dma_semaphore, #tpu.memory_space<semaphore_mem>>) attributes {dimension_semantics = [#tpu.dimension_semantics<core_parallel>, #tpu.dimension_semantics<subcore_parallel>], iteration_bounds = array<i64: 2, 16>, scalar_prefetch = 0 : i64, scratch_operands = 12 : i64, tpu.core_type = #tpu.core_type<sc_vector_subcore>, window_params = [{transform_indices = #map}, {transform_indices = #map}, {transform_indices = #map1}, {transform_indices = #map1}, {transform_indices = #map2}]} {
    %scan3A = arith.constant 0 : i32
    %scan3A_0 = arith.constant 64 : i32
    %scan3A_1 = arith.addi %scan3A, %scan3A_0 : i32
    %scan3A_2 = arith.constant 1 : i32
    scf.for %scan3A_20 = %scan3A to %scan3A_1 step %scan3A_2  : i32 {
      %mul3A_21 = arith.constant 1 : i32
      %mul3A_22 = arith.muli %scan3A_20, %mul3A_21 : i32
      %add3A = arith.constant 0 : i32
      %add3A_23 = arith.addi %add3A, %mul3A_22 : i32
      %scan3A_24 = arith.constant 0 : i32
      %scan3A_25 = arith.constant 8 : i32
      %scan3A_26 = arith.addi %scan3A_24, %scan3A_25 : i32
      %scan3A_27 = arith.constant 1 : i32
      scf.for %scan3A_29 = %scan3A_24 to %scan3A_26 step %scan3A_27  : i32 {
        %mul3A_30 = arith.constant 16 : i32
        %mul3A_31 = arith.muli %scan3A_29, %mul3A_30 : i32
        %add3A_32 = arith.constant 0 : i32
        %add3A_33 = arith.addi %add3A_32, %mul3A_31 : i32
        %broadcast_in_dim3A = arith.constant 0.000000e+00 : f32
        %broadcast_in_dim3A_34 = vector.broadcast %broadcast_in_dim3A : f32 to vector<16xf32>
        %swap3A = arith.constant 0 : i32
        %swap3A_35 = arith.index_cast %swap3A : i32 to index
        %swap3A_36 = arith.index_cast %add3A_23 : i32 to index
        %swap3A_37 = arith.index_cast %add3A_33 : i32 to index
        %swap3A_38 = tpu.vector_load %arg9[%swap3A_35, %swap3A_36, %swap3A_37] {strides = array<i32>} : memref<4x64x128xf32, #tpu.memory_space<vmem>>, vector<1x1x16xf32>,
        %swap3A_39 = vector.shape_cast %swap3A_38 : vector<1x1x16xf32> to vector<16xf32>
        %swap3A_40 = vector.shape_cast %broadcast_in_dim3A_34 : vector<16xf32> to vector<1x1x16xf32>
        tpu.vector_store %arg9[%swap3A_35, %swap3A_36, %swap3A_37], %swap3A_40 {strides = array<i32>} : memref<4x64x128xf32, #tpu.memory_space<vmem>>, vector<1x1x16xf32>,
      }
      %scan3A_28 = arith.constant 8 : i32
    }
    %scan3A_3 = arith.constant 64 : i32
    %scan3A_4 = arith.constant 0 : i32
    %scan3A_5 = arith.constant 10 : i32
    %scan3A_6 = arith.addi %scan3A_4, %scan3A_5 : i32
    %scan3A_7 = arith.constant 1 : i32
    scf.for %scan3A_20 = %scan3A_4 to %scan3A_6 step %scan3A_7  : i32 {
      %mul3A_21 = arith.constant 1 : i32
      %mul3A_22 = arith.muli %scan3A_20, %mul3A_21 : i32
      %add3A = arith.constant 0 : i32
      %add3A_23 = arith.addi %add3A, %mul3A_22 : i32
      %mul3A_24 = arith.constant 640 : i32
      %mul3A_25 = arith.muli %arg1, %mul3A_24 : i32
      %mul3A_26 = arith.constant 64 : i32
      %mul3A_27 = arith.muli %add3A_23, %mul3A_26 : i32
      %add3A_28 = arith.addi %mul3A_25, %mul3A_27 : i32
      %run_scoped3A = arith.constant 0 : i32
      "tpu.region"() ({
        %run_scoped3A_29 = tpu.sem_alloc : memref<!tpu.dma_semaphore, #tpu.memory_space<semaphore_mem>>
        %dma_start3A = arith.constant 0 : i32
        %dma_start3A_30 = arith.constant 0 : i32
        %dma_start3A_31 = tpu.memref_slice %arg9[%run_scoped3A, %dma_start3A, %dma_start3A_30] : memref<4x64x128xf32, #tpu.memory_space<vmem>> -> memref<1x64x128xf32, #tpu.memory_space<vmem>>
        %dma_start3A_32 = tpu.memref_squeeze %dma_start3A_31 : memref<1x64x128xf32, #tpu.memory_space<vmem>> -> memref<64x128xf32, #tpu.memory_space<vmem>>
        %dma_start3A_33 = arith.constant 0 : i32
        %dma_start3A_34 = tpu.memref_slice %arg10[%add3A_28, %dma_start3A_33] : memref<10240x128xf32, #tpu.memory_space<vmem_shared>> -> memref<64x128xf32, #tpu.memory_space<vmem_shared>>
        %dma_start3A_35 = arith.constant 0 : i32
        %dma_start3A_36 = tpu.memref_slice %arg10[%add3A_28, %dma_start3A_35] : memref<10240x128xf32, #tpu.memory_space<vmem_shared>> -> memref<64x128xf32, #tpu.memory_space<vmem_shared>>
        %dma_start3A_37 = arith.constant 0 : i32
        %dma_start3A_38 = arith.constant 0 : i32
        %dma_start3A_39 = tpu.memref_slice %arg9[%run_scoped3A, %dma_start3A_37, %dma_start3A_38] : memref<4x64x128xf32, #tpu.memory_space<vmem>> -> memref<1x64x128xf32, #tpu.memory_space<vmem>>
        %dma_start3A_40 = tpu.memref_squeeze %dma_start3A_39 : memref<1x64x128xf32, #tpu.memory_space<vmem>> -> memref<64x128xf32, #tpu.memory_space<vmem>>
        tpu.enqueue_dma source(%dma_start3A_40 : memref<64x128xf32, #tpu.memory_space<vmem>>) target(%dma_start3A_36 : memref<64x128xf32, #tpu.memory_space<vmem_shared>>) target_semaphore(%run_scoped3A_29 : memref<!tpu.dma_semaphore, #tpu.memory_space<semaphore_mem>>)
        %dma_wait3A = arith.constant 0 : i32
        %dma_wait3A_41 = arith.constant 0 : i32
        %dma_wait3A_42 = tpu.memref_slice %arg9[%run_scoped3A, %dma_wait3A, %dma_wait3A_41] : memref<4x64x128xf32, #tpu.memory_space<vmem>> -> memref<1x64x128xf32, #tpu.memory_space<vmem>>
        %dma_wait3A_43 = tpu.memref_squeeze %dma_wait3A_42 : memref<1x64x128xf32, #tpu.memory_space<vmem>> -> memref<64x128xf32, #tpu.memory_space<vmem>>
        %dma_wait3A_44 = arith.constant 0 : i32
        %dma_wait3A_45 = tpu.memref_slice %arg10[%add3A_28, %dma_wait3A_44] : memref<10240x128xf32, #tpu.memory_space<vmem_shared>> -> memref<64x128xf32, #tpu.memory_space<vmem_shared>>
        %dma_wait3A_46 = arith.constant 0 : i32
        %dma_wait3A_47 = tpu.memref_slice %arg10[%add3A_28, %dma_wait3A_46] : memref<10240x128xf32, #tpu.memory_space<vmem_shared>> -> memref<64x128xf32, #tpu.memory_space<vmem_shared>>
        %dma_wait3A_48 = arith.constant 0 : i32
        %dma_wait3A_49 = arith.constant 0 : i32
        %dma_wait3A_50 = tpu.memref_slice %arg9[%run_scoped3A, %dma_wait3A_48, %dma_wait3A_49] : memref<4x64x128xf32, #tpu.memory_space<vmem>> -> memref<1x64x128xf32, #tpu.memory_space<vmem>>
        %dma_wait3A_51 = tpu.memref_squeeze %dma_wait3A_50 : memref<1x64x128xf32, #tpu.memory_space<vmem>> -> memref<64x128xf32, #tpu.memory_space<vmem>>
        tpu.wait_dma2 semaphore(%run_scoped3A_29 : memref<!tpu.dma_semaphore, #tpu.memory_space<semaphore_mem>>) src(%dma_wait3A_51 : memref<64x128xf32, #tpu.memory_space<vmem>>) dst(%dma_wait3A_47 : memref<64x128xf32, #tpu.memory_space<vmem_shared>>)
        tpu.yield
      }) : () -> ()
    }
    %scan3A_8 = arith.constant 10 : i32
    %barrier3A = arith.constant 0 : index
    tpu.barrier barrier_id(%barrier3A)
    %eq3A = arith.constant 0 : i32
    %eq3A_9 = arith.cmpi eq, %arg0, %eq3A : i32
    %convert_element_type3A = arith.extui %eq3A_9 : i1 to i32
    %cond3A = arith.constant 0 : i32
    %cond3A_10 = arith.cmpi ne, %convert_element_type3A, %cond3A : i32
    scf.if %cond3A_10 {
      %scan3A_20 = arith.constant 0 : i32
      %scan3A_21 = arith.constant 4 : i32
      %scan3A_22 = arith.addi %scan3A_20, %scan3A_21 : i32
      %scan3A_23 = arith.constant 1 : i32
      scf.for %scan3A_25 = %scan3A_20 to %scan3A_22 step %scan3A_23  : i32 {
        %mul3A_26 = arith.constant 1 : i32
        %mul3A_27 = arith.muli %scan3A_25, %mul3A_26 : i32
        %add3A = arith.constant 0 : i32
        %add3A_28 = arith.addi %add3A, %mul3A_27 : i32
        "tpu.region"() ({
          %run_scoped3A_83 = tpu.sem_alloc : memref<!tpu.dma_semaphore, #tpu.memory_space<semaphore_mem>>
          %dma_start3A_84 = arith.constant 0 : i32
          %dma_start3A_85 = arith.constant 0 : i32
          %dma_start3A_86 = arith.constant 0 : i32
          %dma_start3A_87 = tpu.memref_slice %arg4[%arg1, %dma_start3A_84, %dma_start3A_85, %dma_start3A_86] : memref<16x4x40x64xi32, #tpu.memory_space<hbm>> -> memref<1x4x40x64xi32, #tpu.memory_space<hbm>>
          %dma_start3A_88 = tpu.memref_squeeze %dma_start3A_87 : memref<1x4x40x64xi32, #tpu.memory_space<hbm>> -> memref<4x40x64xi32, #tpu.memory_space<hbm>>
          %dma_start3A_89 = arith.constant 0 : i32
          %dma_start3A_90 = arith.constant 0 : i32
          %dma_start3A_91 = tpu.memref_slice %dma_start3A_88[%add3A_28, %dma_start3A_89, %dma_start3A_90] : memref<4x40x64xi32, #tpu.memory_space<hbm>> -> memref<1x40x64xi32, #tpu.memory_space<hbm>>
          %dma_start3A_92 = tpu.memref_squeeze %dma_start3A_91 : memref<1x40x64xi32, #tpu.memory_space<hbm>> -> memref<40x64xi32, #tpu.memory_space<hbm>>
          %dma_start3A_93 = arith.constant 0 : i32
          %dma_start3A_94 = arith.constant 0 : i32
          %dma_start3A_95 = arith.constant 0 : i32
          %dma_start3A_96 = tpu.memref_slice %arg4[%arg1, %dma_start3A_93, %dma_start3A_94, %dma_start3A_95] : memref<16x4x40x64xi32, #tpu.memory_space<hbm>> -> memref<1x4x40x64xi32, #tpu.memory_space<hbm>>
          %dma_start3A_97 = tpu.memref_squeeze %dma_start3A_96 : memref<1x4x40x64xi32, #tpu.memory_space<hbm>> -> memref<4x40x64xi32, #tpu.memory_space<hbm>>
          %dma_start3A_98 = arith.constant 0 : i32
          %dma_start3A_99 = arith.constant 0 : i32
          %dma_start3A_100 = tpu.memref_slice %dma_start3A_97[%add3A_28, %dma_start3A_98, %dma_start3A_99] : memref<4x40x64xi32, #tpu.memory_space<hbm>> -> memref<1x40x64xi32, #tpu.memory_space<hbm>>
          %dma_start3A_101 = tpu.memref_squeeze %dma_start3A_100 : memref<1x40x64xi32, #tpu.memory_space<hbm>> -> memref<40x64xi32, #tpu.memory_space<hbm>>
          tpu.enqueue_dma source(%dma_start3A_101 : memref<40x64xi32, #tpu.memory_space<hbm>>) target(%arg7 : memref<40x64xi32, #tpu.memory_space<vmem>>) target_semaphore(%run_scoped3A_83 : memref<!tpu.dma_semaphore, #tpu.memory_space<semaphore_mem>>)
          %dma_wait3A_102 = arith.constant 0 : i32
          %dma_wait3A_103 = arith.constant 0 : i32
          %dma_wait3A_104 = arith.constant 0 : i32
          %dma_wait3A_105 = tpu.memref_slice %arg4[%arg1, %dma_wait3A_102, %dma_wait3A_103, %dma_wait3A_104] : memref<16x4x40x64xi32, #tpu.memory_space<hbm>> -> memref<1x4x40x64xi32, #tpu.memory_space<hbm>>
          %dma_wait3A_106 = tpu.memref_squeeze %dma_wait3A_105 : memref<1x4x40x64xi32, #tpu.memory_space<hbm>> -> memref<4x40x64xi32, #tpu.memory_space<hbm>>
          %dma_wait3A_107 = arith.constant 0 : i32
          %dma_wait3A_108 = arith.constant 0 : i32
          %dma_wait3A_109 = tpu.memref_slice %dma_wait3A_106[%add3A_28, %dma_wait3A_107, %dma_wait3A_108] : memref<4x40x64xi32, #tpu.memory_space<hbm>> -> memref<1x40x64xi32, #tpu.memory_space<hbm>>
          %dma_wait3A_110 = tpu.memref_squeeze %dma_wait3A_109 : memref<1x40x64xi32, #tpu.memory_space<hbm>> -> memref<40x64xi32, #tpu.memory_space<hbm>>
          %dma_wait3A_111 = arith.constant 0 : i32
          %dma_wait3A_112 = arith.constant 0 : i32
          %dma_wait3A_113 = arith.constant 0 : i32
          %dma_wait3A_114 = tpu.memref_slice %arg4[%arg1, %dma_wait3A_111, %dma_wait3A_112, %dma_wait3A_113] : memref<16x4x40x64xi32, #tpu.memory_space<hbm>> -> memref<1x4x40x64xi32, #tpu.memory_space<hbm>>
          %dma_wait3A_115 = tpu.memref_squeeze %dma_wait3A_114 : memref<1x4x40x64xi32, #tpu.memory_space<hbm>> -> memref<4x40x64xi32, #tpu.memory_space<hbm>>
          %dma_wait3A_116 = arith.constant 0 : i32
          %dma_wait3A_117 = arith.constant 0 : i32
          %dma_wait3A_118 = tpu.memref_slice %dma_wait3A_115[%add3A_28, %dma_wait3A_116, %dma_wait3A_117] : memref<4x40x64xi32, #tpu.memory_space<hbm>> -> memref<1x40x64xi32, #tpu.memory_space<hbm>>
          %dma_wait3A_119 = tpu.memref_squeeze %dma_wait3A_118 : memref<1x40x64xi32, #tpu.memory_space<hbm>> -> memref<40x64xi32, #tpu.memory_space<hbm>>
          tpu.wait_dma2 semaphore(%run_scoped3A_83 : memref<!tpu.dma_semaphore, #tpu.memory_space<semaphore_mem>>) src(%dma_wait3A_119 : memref<40x64xi32, #tpu.memory_space<hbm>>) dst(%arg7 : memref<40x64xi32, #tpu.memory_space<vmem>>)
          tpu.yield
        }) : () -> ()
        "tpu.region"() ({
          %run_scoped3A_83 = tpu.sem_alloc : memref<!tpu.dma_semaphore, #tpu.memory_space<semaphore_mem>>
          %dma_start3A_84 = arith.constant 0 : i32
          %dma_start3A_85 = arith.constant 0 : i32
          %dma_start3A_86 = arith.constant 0 : i32
          %dma_start3A_87 = tpu.memref_slice %arg5[%arg1, %dma_start3A_84, %dma_start3A_85, %dma_start3A_86] : memref<16x4x40x64xi32, #tpu.memory_space<hbm>> -> memref<1x4x40x64xi32, #tpu.memory_space<hbm>>
          %dma_start3A_88 = tpu.memref_squeeze %dma_start3A_87 : memref<1x4x40x64xi32, #tpu.memory_space<hbm>> -> memref<4x40x64xi32, #tpu.memory_space<hbm>>
          %dma_start3A_89 = arith.constant 0 : i32
          %dma_start3A_90 = arith.constant 0 : i32
          %dma_start3A_91 = tpu.memref_slice %dma_start3A_88[%add3A_28, %dma_start3A_89, %dma_start3A_90] : memref<4x40x64xi32, #tpu.memory_space<hbm>> -> memref<1x40x64xi32, #tpu.memory_space<hbm>>
          %dma_start3A_92 = tpu.memref_squeeze %dma_start3A_91 : memref<1x40x64xi32, #tpu.memory_space<hbm>> -> memref<40x64xi32, #tpu.memory_space<hbm>>
          %dma_start3A_93 = arith.constant 0 : i32
          %dma_start3A_94 = arith.constant 0 : i32
          %dma_start3A_95 = arith.constant 0 : i32
          %dma_start3A_96 = tpu.memref_slice %arg5[%arg1, %dma_start3A_93, %dma_start3A_94, %dma_start3A_95] : memref<16x4x40x64xi32, #tpu.memory_space<hbm>> -> memref<1x4x40x64xi32, #tpu.memory_space<hbm>>
          %dma_start3A_97 = tpu.memref_squeeze %dma_start3A_96 : memref<1x4x40x64xi32, #tpu.memory_space<hbm>> -> memref<4x40x64xi32, #tpu.memory_space<hbm>>
          %dma_start3A_98 = arith.constant 0 : i32
          %dma_start3A_99 = arith.constant 0 : i32
          %dma_start3A_100 = tpu.memref_slice %dma_start3A_97[%add3A_28, %dma_start3A_98, %dma_start3A_99] : memref<4x40x64xi32, #tpu.memory_space<hbm>> -> memref<1x40x64xi32, #tpu.memory_space<hbm>>
          %dma_start3A_101 = tpu.memref_squeeze %dma_start3A_100 : memref<1x40x64xi32, #tpu.memory_space<hbm>> -> memref<40x64xi32, #tpu.memory_space<hbm>>
          tpu.enqueue_dma source(%dma_start3A_101 : memref<40x64xi32, #tpu.memory_space<hbm>>) target(%arg8 : memref<40x64xi32, #tpu.memory_space<vmem>>) target_semaphore(%run_scoped3A_83 : memref<!tpu.dma_semaphore, #tpu.memory_space<semaphore_mem>>)
          %dma_wait3A_102 = arith.constant 0 : i32
          %dma_wait3A_103 = arith.constant 0 : i32
          %dma_wait3A_104 = arith.constant 0 : i32
          %dma_wait3A_105 = tpu.memref_slice %arg5[%arg1, %dma_wait3A_102, %dma_wait3A_103, %dma_wait3A_104] : memref<16x4x40x64xi32, #tpu.memory_space<hbm>> -> memref<1x4x40x64xi32, #tpu.memory_space<hbm>>
          %dma_wait3A_106 = tpu.memref_squeeze %dma_wait3A_105 : memref<1x4x40x64xi32, #tpu.memory_space<hbm>> -> memref<4x40x64xi32, #tpu.memory_space<hbm>>
          %dma_wait3A_107 = arith.constant 0 : i32
          %dma_wait3A_108 = arith.constant 0 : i32
          %dma_wait3A_109 = tpu.memref_slice %dma_wait3A_106[%add3A_28, %dma_wait3A_107, %dma_wait3A_108] : memref<4x40x64xi32, #tpu.memory_space<hbm>> -> memref<1x40x64xi32, #tpu.memory_space<hbm>>
          %dma_wait3A_110 = tpu.memref_squeeze %dma_wait3A_109 : memref<1x40x64xi32, #tpu.memory_space<hbm>> -> memref<40x64xi32, #tpu.memory_space<hbm>>
          %dma_wait3A_111 = arith.constant 0 : i32
          %dma_wait3A_112 = arith.constant 0 : i32
          %dma_wait3A_113 = arith.constant 0 : i32
          %dma_wait3A_114 = tpu.memref_slice %arg5[%arg1, %dma_wait3A_111, %dma_wait3A_112, %dma_wait3A_113] : memref<16x4x40x64xi32, #tpu.memory_space<hbm>> -> memref<1x4x40x64xi32, #tpu.memory_space<hbm>>
          %dma_wait3A_115 = tpu.memref_squeeze %dma_wait3A_114 : memref<1x4x40x64xi32, #tpu.memory_space<hbm>> -> memref<4x40x64xi32, #tpu.memory_space<hbm>>
          %dma_wait3A_116 = arith.constant 0 : i32
          %dma_wait3A_117 = arith.constant 0 : i32
          %dma_wait3A_118 = tpu.memref_slice %dma_wait3A_115[%add3A_28, %dma_wait3A_116, %dma_wait3A_117] : memref<4x40x64xi32, #tpu.memory_space<hbm>> -> memref<1x40x64xi32, #tpu.memory_space<hbm>>
          %dma_wait3A_119 = tpu.memref_squeeze %dma_wait3A_118 : memref<1x40x64xi32, #tpu.memory_space<hbm>> -> memref<40x64xi32, #tpu.memory_space<hbm>>
          tpu.wait_dma2 semaphore(%run_scoped3A_83 : memref<!tpu.dma_semaphore, #tpu.memory_space<semaphore_mem>>) src(%dma_wait3A_119 : memref<40x64xi32, #tpu.memory_space<hbm>>) dst(%arg8 : memref<40x64xi32, #tpu.memory_space<vmem>>)
          tpu.yield
        }) : () -> ()
        %dma_start3A = arith.constant 0 : i32
        %dma_start3A_29 = arith.constant 0 : i32
        %dma_start3A_30 = arith.constant 0 : i32
        %dma_start3A_31 = arith.constant 0 : i32
        %dma_start3A_32 = tpu.memref_slice %arg9[%dma_start3A_29, %dma_start3A_30, %dma_start3A_31] : memref<4x64x128xf32, #tpu.memory_space<vmem>> -> memref<1x64x128xf32, #tpu.memory_space<vmem>>
        %dma_start3A_33 = tpu.memref_squeeze %dma_start3A_32 : memref<1x64x128xf32, #tpu.memory_space<vmem>> -> memref<64x128xf32, #tpu.memory_space<vmem>>
        %dma_start3A_34 = arith.constant 0 : i32
        %dma_start3A_35 = tpu.memref_slice %arg8[%dma_start3A, %dma_start3A_34] : memref<40x64xi32, #tpu.memory_space<vmem>> -> memref<1x64xi32, #tpu.memory_space<vmem>>
        %dma_start3A_36 = tpu.memref_squeeze %dma_start3A_35 : memref<1x64xi32, #tpu.memory_space<vmem>> -> memref<64xi32, #tpu.memory_space<vmem>>
        %dma_start3A_37 = arith.constant 0 : i32
        %dma_start3A_38 = arith.constant 0 : i32
        %dma_start3A_39 = tpu.memref_slice %arg2[%dma_start3A_37, %dma_start3A_38] : memref<10240x128xf32, #tpu.memory_space<hbm>> -> memref<10240x128xf32, #tpu.memory_space<hbm>>
        tpu.enqueue_indirect_dma source(%dma_start3A_39 : memref<10240x128xf32, #tpu.memory_space<hbm>>) target(%dma_start3A_33 : memref<64x128xf32, #tpu.memory_space<vmem>>) offsets(%dma_start3A_36 : memref<64xi32, #tpu.memory_space<vmem>>) semaphore(%arg11 : memref<!tpu.dma_semaphore, #tpu.memory_space<semaphore_mem>>)
        %dma_start3A_40 = arith.constant 1 : i32
        %dma_start3A_41 = arith.constant 1 : i32
        %dma_start3A_42 = arith.constant 0 : i32
        %dma_start3A_43 = arith.constant 0 : i32
        %dma_start3A_44 = tpu.memref_slice %arg9[%dma_start3A_41, %dma_start3A_42, %dma_start3A_43] : memref<4x64x128xf32, #tpu.memory_space<vmem>> -> memref<1x64x128xf32, #tpu.memory_space<vmem>>
        %dma_start3A_45 = tpu.memref_squeeze %dma_start3A_44 : memref<1x64x128xf32, #tpu.memory_space<vmem>> -> memref<64x128xf32, #tpu.memory_space<vmem>>
        %dma_start3A_46 = arith.constant 0 : i32
        %dma_start3A_47 = tpu.memref_slice %arg8[%dma_start3A_40, %dma_start3A_46] : memref<40x64xi32, #tpu.memory_space<vmem>> -> memref<1x64xi32, #tpu.memory_space<vmem>>
        %dma_start3A_48 = tpu.memref_squeeze %dma_start3A_47 : memref<1x64xi32, #tpu.memory_space<vmem>> -> memref<64xi32, #tpu.memory_space<vmem>>
        %dma_start3A_49 = arith.constant 0 : i32
        %dma_start3A_50 = arith.constant 0 : i32
        %dma_start3A_51 = tpu.memref_slice %arg2[%dma_start3A_49, %dma_start3A_50] : memref<10240x128xf32, #tpu.memory_space<hbm>> -> memref<10240x128xf32, #tpu.memory_space<hbm>>
        tpu.enqueue_indirect_dma source(%dma_start3A_51 : memref<10240x128xf32, #tpu.memory_space<hbm>>) target(%dma_start3A_45 : memref<64x128xf32, #tpu.memory_space<vmem>>) offsets(%dma_start3A_48 : memref<64xi32, #tpu.memory_space<vmem>>) semaphore(%arg12 : memref<!tpu.dma_semaphore, #tpu.memory_space<semaphore_mem>>)
        %scan3A_52 = arith.constant 0 : i32
        %scan3A_53 = arith.constant 19 : i32
        %scan3A_54 = arith.addi %scan3A_52, %scan3A_53 : i32
        %scan3A_55 = arith.constant 1 : i32
        scf.for %scan3A_83 = %scan3A_52 to %scan3A_54 step %scan3A_55  : i32 {
          %mul3A_84 = arith.constant 1 : i32
          %mul3A_85 = arith.muli %scan3A_83, %mul3A_84 : i32
          %add3A_86 = arith.constant 0 : i32
          %add3A_87 = arith.addi %add3A_86, %mul3A_85 : i32
          %mul3A_88 = arith.constant 2 : i32
          %mul3A_89 = arith.muli %add3A_87, %mul3A_88 : i32
          %dma_wait3A_90 = arith.constant 0 : i32
          %dma_wait3A_91 = arith.constant 0 : i32
          %dma_wait3A_92 = arith.constant 0 : i32
          %dma_wait3A_93 = tpu.memref_slice %arg9[%dma_wait3A_90, %dma_wait3A_91, %dma_wait3A_92] : memref<4x64x128xf32, #tpu.memory_space<vmem>> -> memref<1x64x128xf32, #tpu.memory_space<vmem>>
          %dma_wait3A_94 = tpu.memref_squeeze %dma_wait3A_93 : memref<1x64x128xf32, #tpu.memory_space<vmem>> -> memref<64x128xf32, #tpu.memory_space<vmem>>
          %dma_wait3A_95 = arith.constant 0 : i32
          %dma_wait3A_96 = tpu.memref_slice %arg8[%mul3A_89, %dma_wait3A_95] : memref<40x64xi32, #tpu.memory_space<vmem>> -> memref<1x64xi32, #tpu.memory_space<vmem>>
          %dma_wait3A_97 = tpu.memref_squeeze %dma_wait3A_96 : memref<1x64xi32, #tpu.memory_space<vmem>> -> memref<64xi32, #tpu.memory_space<vmem>>
          %dma_wait3A_98 = arith.constant 0 : i32
          %dma_wait3A_99 = arith.constant 0 : i32
          %dma_wait3A_100 = tpu.memref_slice %arg2[%dma_wait3A_98, %dma_wait3A_99] : memref<10240x128xf32, #tpu.memory_space<hbm>> -> memref<10240x128xf32, #tpu.memory_space<hbm>>
          tpu.wait_indirect_dma semaphore(%arg11 : memref<!tpu.dma_semaphore, #tpu.memory_space<semaphore_mem>>) src(%dma_wait3A_100 : memref<10240x128xf32, #tpu.memory_space<hbm>>) dst(%dma_wait3A_94 : memref<64x128xf32, #tpu.memory_space<vmem>>)
          %run_scoped3A_101 = arith.constant 0 : i32
          "tpu.region"() ({
            %run_scoped3A_144 = tpu.sem_alloc : memref<!tpu.dma_semaphore, #tpu.memory_space<semaphore_mem>>
            %dma_start3A_145 = arith.constant 0 : i32
            %dma_start3A_146 = arith.constant 0 : i32
            %dma_start3A_147 = tpu.memref_slice %arg9[%run_scoped3A_101, %dma_start3A_145, %dma_start3A_146] : memref<4x64x128xf32, #tpu.memory_space<vmem>> -> memref<1x64x128xf32, #tpu.memory_space<vmem>>
            %dma_start3A_148 = tpu.memref_squeeze %dma_start3A_147 : memref<1x64x128xf32, #tpu.memory_space<vmem>> -> memref<64x128xf32, #tpu.memory_space<vmem>>
            %dma_start3A_149 = arith.constant 0 : i32
            %dma_start3A_150 = tpu.memref_slice %arg7[%mul3A_89, %dma_start3A_149] : memref<40x64xi32, #tpu.memory_space<vmem>> -> memref<1x64xi32, #tpu.memory_space<vmem>>
            %dma_start3A_151 = tpu.memref_squeeze %dma_start3A_150 : memref<1x64xi32, #tpu.memory_space<vmem>> -> memref<64xi32, #tpu.memory_space<vmem>>
            %dma_start3A_152 = arith.constant 0 : i32
            %dma_start3A_153 = arith.constant 0 : i32
            %dma_start3A_154 = tpu.memref_slice %arg10[%dma_start3A_152, %dma_start3A_153] : memref<10240x128xf32, #tpu.memory_space<vmem_shared>> -> memref<10240x128xf32, #tpu.memory_space<vmem_shared>>
            tpu.enqueue_indirect_dma source(%dma_start3A_148 : memref<64x128xf32, #tpu.memory_space<vmem>>) target(%dma_start3A_154 : memref<10240x128xf32, #tpu.memory_space<vmem_shared>>) offsets(%dma_start3A_151 : memref<64xi32, #tpu.memory_space<vmem>>) semaphore(%run_scoped3A_144 : memref<!tpu.dma_semaphore, #tpu.memory_space<semaphore_mem>>) {add = true}
            %dma_wait3A_155 = arith.constant 0 : i32
            %dma_wait3A_156 = arith.constant 0 : i32
            %dma_wait3A_157 = tpu.memref_slice %arg9[%run_scoped3A_101, %dma_wait3A_155, %dma_wait3A_156] : memref<4x64x128xf32, #tpu.memory_space<vmem>> -> memref<1x64x128xf32, #tpu.memory_space<vmem>>
            %dma_wait3A_158 = tpu.memref_squeeze %dma_wait3A_157 : memref<1x64x128xf32, #tpu.memory_space<vmem>> -> memref<64x128xf32, #tpu.memory_space<vmem>>
            %dma_wait3A_159 = arith.constant 0 : i32
            %dma_wait3A_160 = tpu.memref_slice %arg7[%mul3A_89, %dma_wait3A_159] : memref<40x64xi32, #tpu.memory_space<vmem>> -> memref<1x64xi32, #tpu.memory_space<vmem>>
            %dma_wait3A_161 = tpu.memref_squeeze %dma_wait3A_160 : memref<1x64xi32, #tpu.memory_space<vmem>> -> memref<64xi32, #tpu.memory_space<vmem>>
            %dma_wait3A_162 = arith.constant 0 : i32
            %dma_wait3A_163 = arith.constant 0 : i32
            %dma_wait3A_164 = tpu.memref_slice %arg10[%dma_wait3A_162, %dma_wait3A_163] : memref<10240x128xf32, #tpu.memory_space<vmem_shared>> -> memref<10240x128xf32, #tpu.memory_space<vmem_shared>>
            tpu.wait_indirect_dma semaphore(%run_scoped3A_144 : memref<!tpu.dma_semaphore, #tpu.memory_space<semaphore_mem>>) src(%dma_wait3A_158 : memref<64x128xf32, #tpu.memory_space<vmem>>) dst(%dma_wait3A_164 : memref<10240x128xf32, #tpu.memory_space<vmem_shared>>)
            tpu.yield
          }) : () -> ()
          %add3A_102 = arith.constant 2 : i32
          %add3A_103 = arith.addi %mul3A_89, %add3A_102 : i32
          %dma_start3A_104 = arith.constant 0 : i32
          %dma_start3A_105 = arith.constant 0 : i32
          %dma_start3A_106 = arith.constant 0 : i32
          %dma_start3A_107 = tpu.memref_slice %arg9[%dma_start3A_104, %dma_start3A_105, %dma_start3A_106] : memref<4x64x128xf32, #tpu.memory_space<vmem>> -> memref<1x64x128xf32, #tpu.memory_space<vmem>>
          %dma_start3A_108 = tpu.memref_squeeze %dma_start3A_107 : memref<1x64x128xf32, #tpu.memory_space<vmem>> -> memref<64x128xf32, #tpu.memory_space<vmem>>
          %dma_start3A_109 = arith.constant 0 : i32
          %dma_start3A_110 = tpu.memref_slice %arg8[%add3A_103, %dma_start3A_109] : memref<40x64xi32, #tpu.memory_space<vmem>> -> memref<1x64xi32, #tpu.memory_space<vmem>>
          %dma_start3A_111 = tpu.memref_squeeze %dma_start3A_110 : memref<1x64xi32, #tpu.memory_space<vmem>> -> memref<64xi32, #tpu.memory_space<vmem>>
          %dma_start3A_112 = arith.constant 0 : i32
          %dma_start3A_113 = arith.constant 0 : i32
          %dma_start3A_114 = tpu.memref_slice %arg2[%dma_start3A_112, %dma_start3A_113] : memref<10240x128xf32, #tpu.memory_space<hbm>> -> memref<10240x128xf32, #tpu.memory_space<hbm>>
          tpu.enqueue_indirect_dma source(%dma_start3A_114 : memref<10240x128xf32, #tpu.memory_space<hbm>>) target(%dma_start3A_108 : memref<64x128xf32, #tpu.memory_space<vmem>>) offsets(%dma_start3A_111 : memref<64xi32, #tpu.memory_space<vmem>>) semaphore(%arg11 : memref<!tpu.dma_semaphore, #tpu.memory_space<semaphore_mem>>)
          %add3A_115 = arith.constant 1 : i32
          %add3A_116 = arith.addi %mul3A_89, %add3A_115 : i32
          %dma_wait3A_117 = arith.constant 1 : i32
          %dma_wait3A_118 = arith.constant 0 : i32
          %dma_wait3A_119 = arith.constant 0 : i32
          %dma_wait3A_120 = tpu.memref_slice %arg9[%dma_wait3A_117, %dma_wait3A_118, %dma_wait3A_119] : memref<4x64x128xf32, #tpu.memory_space<vmem>> -> memref<1x64x128xf32, #tpu.memory_space<vmem>>
          %dma_wait3A_121 = tpu.memref_squeeze %dma_wait3A_120 : memref<1x64x128xf32, #tpu.memory_space<vmem>> -> memref<64x128xf32, #tpu.memory_space<vmem>>
          %dma_wait3A_122 = arith.constant 0 : i32
          %dma_wait3A_123 = tpu.memref_slice %arg8[%add3A_116, %dma_wait3A_122] : memref<40x64xi32, #tpu.memory_space<vmem>> -> memref<1x64xi32, #tpu.memory_space<vmem>>
          %dma_wait3A_124 = tpu.memref_squeeze %dma_wait3A_123 : memref<1x64xi32, #tpu.memory_space<vmem>> -> memref<64xi32, #tpu.memory_space<vmem>>
          %dma_wait3A_125 = arith.constant 0 : i32
          %dma_wait3A_126 = arith.constant 0 : i32
          %dma_wait3A_127 = tpu.memref_slice %arg2[%dma_wait3A_125, %dma_wait3A_126] : memref<10240x128xf32, #tpu.memory_space<hbm>> -> memref<10240x128xf32, #tpu.memory_space<hbm>>
          tpu.wait_indirect_dma semaphore(%arg12 : memref<!tpu.dma_semaphore, #tpu.memory_space<semaphore_mem>>) src(%dma_wait3A_127 : memref<10240x128xf32, #tpu.memory_space<hbm>>) dst(%dma_wait3A_121 : memref<64x128xf32, #tpu.memory_space<vmem>>)
          %add3A_128 = arith.constant 1 : i32
          %add3A_129 = arith.addi %mul3A_89, %add3A_128 : i32
          %run_scoped3A_130 = arith.constant 1 : i32
          "tpu.region"() ({
            %run_scoped3A_144 = tpu.sem_alloc : memref<!tpu.dma_semaphore, #tpu.memory_space<semaphore_mem>>
            %dma_start3A_145 = arith.constant 0 : i32
            %dma_start3A_146 = arith.constant 0 : i32
            %dma_start3A_147 = tpu.memref_slice %arg9[%run_scoped3A_130, %dma_start3A_145, %dma_start3A_146] : memref<4x64x128xf32, #tpu.memory_space<vmem>> -> memref<1x64x128xf32, #tpu.memory_space<vmem>>
            %dma_start3A_148 = tpu.memref_squeeze %dma_start3A_147 : memref<1x64x128xf32, #tpu.memory_space<vmem>> -> memref<64x128xf32, #tpu.memory_space<vmem>>
            %dma_start3A_149 = arith.constant 0 : i32
            %dma_start3A_150 = tpu.memref_slice %arg7[%add3A_129, %dma_start3A_149] : memref<40x64xi32, #tpu.memory_space<vmem>> -> memref<1x64xi32, #tpu.memory_space<vmem>>
            %dma_start3A_151 = tpu.memref_squeeze %dma_start3A_150 : memref<1x64xi32, #tpu.memory_space<vmem>> -> memref<64xi32, #tpu.memory_space<vmem>>
            %dma_start3A_152 = arith.constant 0 : i32
            %dma_start3A_153 = arith.constant 0 : i32
            %dma_start3A_154 = tpu.memref_slice %arg10[%dma_start3A_152, %dma_start3A_153] : memref<10240x128xf32, #tpu.memory_space<vmem_shared>> -> memref<10240x128xf32, #tpu.memory_space<vmem_shared>>
            tpu.enqueue_indirect_dma source(%dma_start3A_148 : memref<64x128xf32, #tpu.memory_space<vmem>>) target(%dma_start3A_154 : memref<10240x128xf32, #tpu.memory_space<vmem_shared>>) offsets(%dma_start3A_151 : memref<64xi32, #tpu.memory_space<vmem>>) semaphore(%run_scoped3A_144 : memref<!tpu.dma_semaphore, #tpu.memory_space<semaphore_mem>>) {add = true}
            %dma_wait3A_155 = arith.constant 0 : i32
            %dma_wait3A_156 = arith.constant 0 : i32
            %dma_wait3A_157 = tpu.memref_slice %arg9[%run_scoped3A_130, %dma_wait3A_155, %dma_wait3A_156] : memref<4x64x128xf32, #tpu.memory_space<vmem>> -> memref<1x64x128xf32, #tpu.memory_space<vmem>>
            %dma_wait3A_158 = tpu.memref_squeeze %dma_wait3A_157 : memref<1x64x128xf32, #tpu.memory_space<vmem>> -> memref<64x128xf32, #tpu.memory_space<vmem>>
            %dma_wait3A_159 = arith.constant 0 : i32
            %dma_wait3A_160 = tpu.memref_slice %arg7[%add3A_129, %dma_wait3A_159] : memref<40x64xi32, #tpu.memory_space<vmem>> -> memref<1x64xi32, #tpu.memory_space<vmem>>
            %dma_wait3A_161 = tpu.memref_squeeze %dma_wait3A_160 : memref<1x64xi32, #tpu.memory_space<vmem>> -> memref<64xi32, #tpu.memory_space<vmem>>
            %dma_wait3A_162 = arith.constant 0 : i32
            %dma_wait3A_163 = arith.constant 0 : i32
            %dma_wait3A_164 = tpu.memref_slice %arg10[%dma_wait3A_162, %dma_wait3A_163] : memref<10240x128xf32, #tpu.memory_space<vmem_shared>> -> memref<10240x128xf32, #tpu.memory_space<vmem_shared>>
            tpu.wait_indirect_dma semaphore(%run_scoped3A_144 : memref<!tpu.dma_semaphore, #tpu.memory_space<semaphore_mem>>) src(%dma_wait3A_158 : memref<64x128xf32, #tpu.memory_space<vmem>>) dst(%dma_wait3A_164 : memref<10240x128xf32, #tpu.memory_space<vmem_shared>>)
            tpu.yield
          }) : () -> ()
          %add3A_131 = arith.constant 3 : i32
          %add3A_132 = arith.addi %mul3A_89, %add3A_131 : i32
          %dma_start3A_133 = arith.constant 1 : i32
          %dma_start3A_134 = arith.constant 0 : i32
          %dma_start3A_135 = arith.constant 0 : i32
          %dma_start3A_136 = tpu.memref_slice %arg9[%dma_start3A_133, %dma_start3A_134, %dma_start3A_135] : memref<4x64x128xf32, #tpu.memory_space<vmem>> -> memref<1x64x128xf32, #tpu.memory_space<vmem>>
          %dma_start3A_137 = tpu.memref_squeeze %dma_start3A_136 : memref<1x64x128xf32, #tpu.memory_space<vmem>> -> memref<64x128xf32, #tpu.memory_space<vmem>>
          %dma_start3A_138 = arith.constant 0 : i32
          %dma_start3A_139 = tpu.memref_slice %arg8[%add3A_132, %dma_start3A_138] : memref<40x64xi32, #tpu.memory_space<vmem>> -> memref<1x64xi32, #tpu.memory_space<vmem>>
          %dma_start3A_140 = tpu.memref_squeeze %dma_start3A_139 : memref<1x64xi32, #tpu.memory_space<vmem>> -> memref<64xi32, #tpu.memory_space<vmem>>
          %dma_start3A_141 = arith.constant 0 : i32
          %dma_start3A_142 = arith.constant 0 : i32
          %dma_start3A_143 = tpu.memref_slice %arg2[%dma_start3A_141, %dma_start3A_142] : memref<10240x128xf32, #tpu.memory_space<hbm>> -> memref<10240x128xf32, #tpu.memory_space<hbm>>
          tpu.enqueue_indirect_dma source(%dma_start3A_143 : memref<10240x128xf32, #tpu.memory_space<hbm>>) target(%dma_start3A_137 : memref<64x128xf32, #tpu.memory_space<vmem>>) offsets(%dma_start3A_140 : memref<64xi32, #tpu.memory_space<vmem>>) semaphore(%arg12 : memref<!tpu.dma_semaphore, #tpu.memory_space<semaphore_mem>>)
        }
        %scan3A_56 = arith.constant 19 : i32
        %dma_wait3A = arith.constant 38 : i32
        %dma_wait3A_57 = arith.constant 0 : i32
        %dma_wait3A_58 = arith.constant 0 : i32
        %dma_wait3A_59 = arith.constant 0 : i32
        %dma_wait3A_60 = tpu.memref_slice %arg9[%dma_wait3A_57, %dma_wait3A_58, %dma_wait3A_59] : memref<4x64x128xf32, #tpu.memory_space<vmem>> -> memref<1x64x128xf32, #tpu.memory_space<vmem>>
        %dma_wait3A_61 = tpu.memref_squeeze %dma_wait3A_60 : memref<1x64x128xf32, #tpu.memory_space<vmem>> -> memref<64x128xf32, #tpu.memory_space<vmem>>
        %dma_wait3A_62 = arith.constant 0 : i32
        %dma_wait3A_63 = tpu.memref_slice %arg8[%dma_wait3A, %dma_wait3A_62] : memref<40x64xi32, #tpu.memory_space<vmem>> -> memref<1x64xi32, #tpu.memory_space<vmem>>
        %dma_wait3A_64 = tpu.memref_squeeze %dma_wait3A_63 : memref<1x64xi32, #tpu.memory_space<vmem>> -> memref<64xi32, #tpu.memory_space<vmem>>
        %dma_wait3A_65 = arith.constant 0 : i32
        %dma_wait3A_66 = arith.constant 0 : i32
        %dma_wait3A_67 = tpu.memref_slice %arg2[%dma_wait3A_65, %dma_wait3A_66] : memref<10240x128xf32, #tpu.memory_space<hbm>> -> memref<10240x128xf32, #tpu.memory_space<hbm>>
        tpu.wait_indirect_dma semaphore(%arg11 : memref<!tpu.dma_semaphore, #tpu.memory_space<semaphore_mem>>) src(%dma_wait3A_67 : memref<10240x128xf32, #tpu.memory_space<hbm>>) dst(%dma_wait3A_61 : memref<64x128xf32, #tpu.memory_space<vmem>>)
        %run_scoped3A = arith.constant 0 : i32
        %run_scoped3A_68 = arith.constant 38 : i32
        "tpu.region"() ({
          %run_scoped3A_83 = tpu.sem_alloc : memref<!tpu.dma_semaphore, #tpu.memory_space<semaphore_mem>>
          %dma_start3A_84 = arith.constant 0 : i32
          %dma_start3A_85 = arith.constant 0 : i32
          %dma_start3A_86 = tpu.memref_slice %arg9[%run_scoped3A, %dma_start3A_84, %dma_start3A_85] : memref<4x64x128xf32, #tpu.memory_space<vmem>> -> memref<1x64x128xf32, #tpu.memory_space<vmem>>
          %dma_start3A_87 = tpu.memref_squeeze %dma_start3A_86 : memref<1x64x128xf32, #tpu.memory_space<vmem>> -> memref<64x128xf32, #tpu.memory_space<vmem>>
          %dma_start3A_88 = arith.constant 0 : i32
          %dma_start3A_89 = tpu.memref_slice %arg7[%run_scoped3A_68, %dma_start3A_88] : memref<40x64xi32, #tpu.memory_space<vmem>> -> memref<1x64xi32, #tpu.memory_space<vmem>>
          %dma_start3A_90 = tpu.memref_squeeze %dma_start3A_89 : memref<1x64xi32, #tpu.memory_space<vmem>> -> memref<64xi32, #tpu.memory_space<vmem>>
          %dma_start3A_91 = arith.constant 0 : i32
          %dma_start3A_92 = arith.constant 0 : i32
          %dma_start3A_93 = tpu.memref_slice %arg10[%dma_start3A_91, %dma_start3A_92] : memref<10240x128xf32, #tpu.memory_space<vmem_shared>> -> memref<10240x128xf32, #tpu.memory_space<vmem_shared>>
          tpu.enqueue_indirect_dma source(%dma_start3A_87 : memref<64x128xf32, #tpu.memory_space<vmem>>) target(%dma_start3A_93 : memref<10240x128xf32, #tpu.memory_space<vmem_shared>>) offsets(%dma_start3A_90 : memref<64xi32, #tpu.memory_space<vmem>>) semaphore(%run_scoped3A_83 : memref<!tpu.dma_semaphore, #tpu.memory_space<semaphore_mem>>) {add = true}
          %dma_wait3A_94 = arith.constant 0 : i32
          %dma_wait3A_95 = arith.constant 0 : i32
          %dma_wait3A_96 = tpu.memref_slice %arg9[%run_scoped3A, %dma_wait3A_94, %dma_wait3A_95] : memref<4x64x128xf32, #tpu.memory_space<vmem>> -> memref<1x64x128xf32, #tpu.memory_space<vmem>>
          %dma_wait3A_97 = tpu.memref_squeeze %dma_wait3A_96 : memref<1x64x128xf32, #tpu.memory_space<vmem>> -> memref<64x128xf32, #tpu.memory_space<vmem>>
          %dma_wait3A_98 = arith.constant 0 : i32
          %dma_wait3A_99 = tpu.memref_slice %arg7[%run_scoped3A_68, %dma_wait3A_98] : memref<40x64xi32, #tpu.memory_space<vmem>> -> memref<1x64xi32, #tpu.memory_space<vmem>>
          %dma_wait3A_100 = tpu.memref_squeeze %dma_wait3A_99 : memref<1x64xi32, #tpu.memory_space<vmem>> -> memref<64xi32, #tpu.memory_space<vmem>>
          %dma_wait3A_101 = arith.constant 0 : i32
          %dma_wait3A_102 = arith.constant 0 : i32
          %dma_wait3A_103 = tpu.memref_slice %arg10[%dma_wait3A_101, %dma_wait3A_102] : memref<10240x128xf32, #tpu.memory_space<vmem_shared>> -> memref<10240x128xf32, #tpu.memory_space<vmem_shared>>
          tpu.wait_indirect_dma semaphore(%run_scoped3A_83 : memref<!tpu.dma_semaphore, #tpu.memory_space<semaphore_mem>>) src(%dma_wait3A_97 : memref<64x128xf32, #tpu.memory_space<vmem>>) dst(%dma_wait3A_103 : memref<10240x128xf32, #tpu.memory_space<vmem_shared>>)
          tpu.yield
        }) : () -> ()
        %dma_wait3A_69 = arith.constant 39 : i32
        %dma_wait3A_70 = arith.constant 1 : i32
        %dma_wait3A_71 = arith.constant 0 : i32
        %dma_wait3A_72 = arith.constant 0 : i32
        %dma_wait3A_73 = tpu.memref_slice %arg9[%dma_wait3A_70, %dma_wait3A_71, %dma_wait3A_72] : memref<4x64x128xf32, #tpu.memory_space<vmem>> -> memref<1x64x128xf32, #tpu.memory_space<vmem>>
        %dma_wait3A_74 = tpu.memref_squeeze %dma_wait3A_73 : memref<1x64x128xf32, #tpu.memory_space<vmem>> -> memref<64x128xf32, #tpu.memory_space<vmem>>
        %dma_wait3A_75 = arith.constant 0 : i32
        %dma_wait3A_76 = tpu.memref_slice %arg8[%dma_wait3A_69, %dma_wait3A_75] : memref<40x64xi32, #tpu.memory_space<vmem>> -> memref<1x64xi32, #tpu.memory_space<vmem>>
        %dma_wait3A_77 = tpu.memref_squeeze %dma_wait3A_76 : memref<1x64xi32, #tpu.memory_space<vmem>> -> memref<64xi32, #tpu.memory_space<vmem>>
        %dma_wait3A_78 = arith.constant 0 : i32
        %dma_wait3A_79 = arith.constant 0 : i32
        %dma_wait3A_80 = tpu.memref_slice %arg2[%dma_wait3A_78, %dma_wait3A_79] : memref<10240x128xf32, #tpu.memory_space<hbm>> -> memref<10240x128xf32, #tpu.memory_space<hbm>>
        tpu.wait_indirect_dma semaphore(%arg12 : memref<!tpu.dma_semaphore, #tpu.memory_space<semaphore_mem>>) src(%dma_wait3A_80 : memref<10240x128xf32, #tpu.memory_space<hbm>>) dst(%dma_wait3A_74 : memref<64x128xf32, #tpu.memory_space<vmem>>)
        %run_scoped3A_81 = arith.constant 1 : i32
        %run_scoped3A_82 = arith.constant 39 : i32
        "tpu.region"() ({
          %run_scoped3A_83 = tpu.sem_alloc : memref<!tpu.dma_semaphore, #tpu.memory_space<semaphore_mem>>
          %dma_start3A_84 = arith.constant 0 : i32
          %dma_start3A_85 = arith.constant 0 : i32
          %dma_start3A_86 = tpu.memref_slice %arg9[%run_scoped3A_81, %dma_start3A_84, %dma_start3A_85] : memref<4x64x128xf32, #tpu.memory_space<vmem>> -> memref<1x64x128xf32, #tpu.memory_space<vmem>>
          %dma_start3A_87 = tpu.memref_squeeze %dma_start3A_86 : memref<1x64x128xf32, #tpu.memory_space<vmem>> -> memref<64x128xf32, #tpu.memory_space<vmem>>
          %dma_start3A_88 = arith.constant 0 : i32
          %dma_start3A_89 = tpu.memref_slice %arg7[%run_scoped3A_82, %dma_start3A_88] : memref<40x64xi32, #tpu.memory_space<vmem>> -> memref<1x64xi32, #tpu.memory_space<vmem>>
          %dma_start3A_90 = tpu.memref_squeeze %dma_start3A_89 : memref<1x64xi32, #tpu.memory_space<vmem>> -> memref<64xi32, #tpu.memory_space<vmem>>
          %dma_start3A_91 = arith.constant 0 : i32
          %dma_start3A_92 = arith.constant 0 : i32
          %dma_start3A_93 = tpu.memref_slice %arg10[%dma_start3A_91, %dma_start3A_92] : memref<10240x128xf32, #tpu.memory_space<vmem_shared>> -> memref<10240x128xf32, #tpu.memory_space<vmem_shared>>
          tpu.enqueue_indirect_dma source(%dma_start3A_87 : memref<64x128xf32, #tpu.memory_space<vmem>>) target(%dma_start3A_93 : memref<10240x128xf32, #tpu.memory_space<vmem_shared>>) offsets(%dma_start3A_90 : memref<64xi32, #tpu.memory_space<vmem>>) semaphore(%run_scoped3A_83 : memref<!tpu.dma_semaphore, #tpu.memory_space<semaphore_mem>>) {add = true}
          %dma_wait3A_94 = arith.constant 0 : i32
          %dma_wait3A_95 = arith.constant 0 : i32
          %dma_wait3A_96 = tpu.memref_slice %arg9[%run_scoped3A_81, %dma_wait3A_94, %dma_wait3A_95] : memref<4x64x128xf32, #tpu.memory_space<vmem>> -> memref<1x64x128xf32, #tpu.memory_space<vmem>>
          %dma_wait3A_97 = tpu.memref_squeeze %dma_wait3A_96 : memref<1x64x128xf32, #tpu.memory_space<vmem>> -> memref<64x128xf32, #tpu.memory_space<vmem>>
          %dma_wait3A_98 = arith.constant 0 : i32
          %dma_wait3A_99 = tpu.memref_slice %arg7[%run_scoped3A_82, %dma_wait3A_98] : memref<40x64xi32, #tpu.memory_space<vmem>> -> memref<1x64xi32, #tpu.memory_space<vmem>>
          %dma_wait3A_100 = tpu.memref_squeeze %dma_wait3A_99 : memref<1x64xi32, #tpu.memory_space<vmem>> -> memref<64xi32, #tpu.memory_space<vmem>>
          %dma_wait3A_101 = arith.constant 0 : i32
          %dma_wait3A_102 = arith.constant 0 : i32
          %dma_wait3A_103 = tpu.memref_slice %arg10[%dma_wait3A_101, %dma_wait3A_102] : memref<10240x128xf32, #tpu.memory_space<vmem_shared>> -> memref<10240x128xf32, #tpu.memory_space<vmem_shared>>
          tpu.wait_indirect_dma semaphore(%run_scoped3A_83 : memref<!tpu.dma_semaphore, #tpu.memory_space<semaphore_mem>>) src(%dma_wait3A_97 : memref<64x128xf32, #tpu.memory_space<vmem>>) dst(%dma_wait3A_103 : memref<10240x128xf32, #tpu.memory_space<vmem_shared>>)
          tpu.yield
        }) : () -> ()
      }
      %scan3A_24 = arith.constant 4 : i32
    } else {
    }
    %eq3A_11 = arith.constant 1 : i32
    %eq3A_12 = arith.cmpi eq, %arg0, %eq3A_11 : i32
    %convert_element_type3A_13 = arith.extui %eq3A_12 : i1 to i32
    %cond3A_14 = arith.constant 0 : i32
    %cond3A_15 = arith.cmpi ne, %convert_element_type3A_13, %cond3A_14 : i32
    scf.if %cond3A_15 {
      %scan3A_20 = arith.constant 0 : i32
      %scan3A_21 = arith.constant 4 : i32
      %scan3A_22 = arith.addi %scan3A_20, %scan3A_21 : i32
      %scan3A_23 = arith.constant 1 : i32
      scf.for %scan3A_25 = %scan3A_20 to %scan3A_22 step %scan3A_23  : i32 {
        %mul3A_26 = arith.constant 1 : i32
        %mul3A_27 = arith.muli %scan3A_25, %mul3A_26 : i32
        %add3A = arith.constant 0 : i32
        %add3A_28 = arith.addi %add3A, %mul3A_27 : i32
        "tpu.region"() ({
          %run_scoped3A_83 = tpu.sem_alloc : memref<!tpu.dma_semaphore, #tpu.memory_space<semaphore_mem>>
          %dma_start3A_84 = arith.constant 0 : i32
          %dma_start3A_85 = arith.constant 0 : i32
          %dma_start3A_86 = arith.constant 0 : i32
          %dma_start3A_87 = tpu.memref_slice %arg4[%arg1, %dma_start3A_84, %dma_start3A_85, %dma_start3A_86] : memref<16x4x40x64xi32, #tpu.memory_space<hbm>> -> memref<1x4x40x64xi32, #tpu.memory_space<hbm>>
          %dma_start3A_88 = tpu.memref_squeeze %dma_start3A_87 : memref<1x4x40x64xi32, #tpu.memory_space<hbm>> -> memref<4x40x64xi32, #tpu.memory_space<hbm>>
          %dma_start3A_89 = arith.constant 0 : i32
          %dma_start3A_90 = arith.constant 0 : i32
          %dma_start3A_91 = tpu.memref_slice %dma_start3A_88[%add3A_28, %dma_start3A_89, %dma_start3A_90] : memref<4x40x64xi32, #tpu.memory_space<hbm>> -> memref<1x40x64xi32, #tpu.memory_space<hbm>>
          %dma_start3A_92 = tpu.memref_squeeze %dma_start3A_91 : memref<1x40x64xi32, #tpu.memory_space<hbm>> -> memref<40x64xi32, #tpu.memory_space<hbm>>
          %dma_start3A_93 = arith.constant 0 : i32
          %dma_start3A_94 = arith.constant 0 : i32
          %dma_start3A_95 = arith.constant 0 : i32
          %dma_start3A_96 = tpu.memref_slice %arg4[%arg1, %dma_start3A_93, %dma_start3A_94, %dma_start3A_95] : memref<16x4x40x64xi32, #tpu.memory_space<hbm>> -> memref<1x4x40x64xi32, #tpu.memory_space<hbm>>
          %dma_start3A_97 = tpu.memref_squeeze %dma_start3A_96 : memref<1x4x40x64xi32, #tpu.memory_space<hbm>> -> memref<4x40x64xi32, #tpu.memory_space<hbm>>
          %dma_start3A_98 = arith.constant 0 : i32
          %dma_start3A_99 = arith.constant 0 : i32
          %dma_start3A_100 = tpu.memref_slice %dma_start3A_97[%add3A_28, %dma_start3A_98, %dma_start3A_99] : memref<4x40x64xi32, #tpu.memory_space<hbm>> -> memref<1x40x64xi32, #tpu.memory_space<hbm>>
          %dma_start3A_101 = tpu.memref_squeeze %dma_start3A_100 : memref<1x40x64xi32, #tpu.memory_space<hbm>> -> memref<40x64xi32, #tpu.memory_space<hbm>>
          tpu.enqueue_dma source(%dma_start3A_101 : memref<40x64xi32, #tpu.memory_space<hbm>>) target(%arg7 : memref<40x64xi32, #tpu.memory_space<vmem>>) target_semaphore(%run_scoped3A_83 : memref<!tpu.dma_semaphore, #tpu.memory_space<semaphore_mem>>)
          %dma_wait3A_102 = arith.constant 0 : i32
          %dma_wait3A_103 = arith.constant 0 : i32
          %dma_wait3A_104 = arith.constant 0 : i32
          %dma_wait3A_105 = tpu.memref_slice %arg4[%arg1, %dma_wait3A_102, %dma_wait3A_103, %dma_wait3A_104] : memref<16x4x40x64xi32, #tpu.memory_space<hbm>> -> memref<1x4x40x64xi32, #tpu.memory_space<hbm>>
          %dma_wait3A_106 = tpu.memref_squeeze %dma_wait3A_105 : memref<1x4x40x64xi32, #tpu.memory_space<hbm>> -> memref<4x40x64xi32, #tpu.memory_space<hbm>>
          %dma_wait3A_107 = arith.constant 0 : i32
          %dma_wait3A_108 = arith.constant 0 : i32
          %dma_wait3A_109 = tpu.memref_slice %dma_wait3A_106[%add3A_28, %dma_wait3A_107, %dma_wait3A_108] : memref<4x40x64xi32, #tpu.memory_space<hbm>> -> memref<1x40x64xi32, #tpu.memory_space<hbm>>
          %dma_wait3A_110 = tpu.memref_squeeze %dma_wait3A_109 : memref<1x40x64xi32, #tpu.memory_space<hbm>> -> memref<40x64xi32, #tpu.memory_space<hbm>>
          %dma_wait3A_111 = arith.constant 0 : i32
          %dma_wait3A_112 = arith.constant 0 : i32
          %dma_wait3A_113 = arith.constant 0 : i32
          %dma_wait3A_114 = tpu.memref_slice %arg4[%arg1, %dma_wait3A_111, %dma_wait3A_112, %dma_wait3A_113] : memref<16x4x40x64xi32, #tpu.memory_space<hbm>> -> memref<1x4x40x64xi32, #tpu.memory_space<hbm>>
          %dma_wait3A_115 = tpu.memref_squeeze %dma_wait3A_114 : memref<1x4x40x64xi32, #tpu.memory_space<hbm>> -> memref<4x40x64xi32, #tpu.memory_space<hbm>>
          %dma_wait3A_116 = arith.constant 0 : i32
          %dma_wait3A_117 = arith.constant 0 : i32
          %dma_wait3A_118 = tpu.memref_slice %dma_wait3A_115[%add3A_28, %dma_wait3A_116, %dma_wait3A_117] : memref<4x40x64xi32, #tpu.memory_space<hbm>> -> memref<1x40x64xi32, #tpu.memory_space<hbm>>
          %dma_wait3A_119 = tpu.memref_squeeze %dma_wait3A_118 : memref<1x40x64xi32, #tpu.memory_space<hbm>> -> memref<40x64xi32, #tpu.memory_space<hbm>>
          tpu.wait_dma2 semaphore(%run_scoped3A_83 : memref<!tpu.dma_semaphore, #tpu.memory_space<semaphore_mem>>) src(%dma_wait3A_119 : memref<40x64xi32, #tpu.memory_space<hbm>>) dst(%arg7 : memref<40x64xi32, #tpu.memory_space<vmem>>)
          tpu.yield
        }) : () -> ()
        "tpu.region"() ({
          %run_scoped3A_83 = tpu.sem_alloc : memref<!tpu.dma_semaphore, #tpu.memory_space<semaphore_mem>>
          %dma_start3A_84 = arith.constant 0 : i32
          %dma_start3A_85 = arith.constant 0 : i32
          %dma_start3A_86 = arith.constant 0 : i32
          %dma_start3A_87 = tpu.memref_slice %arg5[%arg1, %dma_start3A_84, %dma_start3A_85, %dma_start3A_86] : memref<16x4x40x64xi32, #tpu.memory_space<hbm>> -> memref<1x4x40x64xi32, #tpu.memory_space<hbm>>
          %dma_start3A_88 = tpu.memref_squeeze %dma_start3A_87 : memref<1x4x40x64xi32, #tpu.memory_space<hbm>> -> memref<4x40x64xi32, #tpu.memory_space<hbm>>
          %dma_start3A_89 = arith.constant 0 : i32
          %dma_start3A_90 = arith.constant 0 : i32
          %dma_start3A_91 = tpu.memref_slice %dma_start3A_88[%add3A_28, %dma_start3A_89, %dma_start3A_90] : memref<4x40x64xi32, #tpu.memory_space<hbm>> -> memref<1x40x64xi32, #tpu.memory_space<hbm>>
          %dma_start3A_92 = tpu.memref_squeeze %dma_start3A_91 : memref<1x40x64xi32, #tpu.memory_space<hbm>> -> memref<40x64xi32, #tpu.memory_space<hbm>>
          %dma_start3A_93 = arith.constant 0 : i32
          %dma_start3A_94 = arith.constant 0 : i32
          %dma_start3A_95 = arith.constant 0 : i32
          %dma_start3A_96 = tpu.memref_slice %arg5[%arg1, %dma_start3A_93, %dma_start3A_94, %dma_start3A_95] : memref<16x4x40x64xi32, #tpu.memory_space<hbm>> -> memref<1x4x40x64xi32, #tpu.memory_space<hbm>>
          %dma_start3A_97 = tpu.memref_squeeze %dma_start3A_96 : memref<1x4x40x64xi32, #tpu.memory_space<hbm>> -> memref<4x40x64xi32, #tpu.memory_space<hbm>>
          %dma_start3A_98 = arith.constant 0 : i32
          %dma_start3A_99 = arith.constant 0 : i32
          %dma_start3A_100 = tpu.memref_slice %dma_start3A_97[%add3A_28, %dma_start3A_98, %dma_start3A_99] : memref<4x40x64xi32, #tpu.memory_space<hbm>> -> memref<1x40x64xi32, #tpu.memory_space<hbm>>
          %dma_start3A_101 = tpu.memref_squeeze %dma_start3A_100 : memref<1x40x64xi32, #tpu.memory_space<hbm>> -> memref<40x64xi32, #tpu.memory_space<hbm>>
          tpu.enqueue_dma source(%dma_start3A_101 : memref<40x64xi32, #tpu.memory_space<hbm>>) target(%arg8 : memref<40x64xi32, #tpu.memory_space<vmem>>) target_semaphore(%run_scoped3A_83 : memref<!tpu.dma_semaphore, #tpu.memory_space<semaphore_mem>>)
          %dma_wait3A_102 = arith.constant 0 : i32
          %dma_wait3A_103 = arith.constant 0 : i32
          %dma_wait3A_104 = arith.constant 0 : i32
          %dma_wait3A_105 = tpu.memref_slice %arg5[%arg1, %dma_wait3A_102, %dma_wait3A_103, %dma_wait3A_104] : memref<16x4x40x64xi32, #tpu.memory_space<hbm>> -> memref<1x4x40x64xi32, #tpu.memory_space<hbm>>
          %dma_wait3A_106 = tpu.memref_squeeze %dma_wait3A_105 : memref<1x4x40x64xi32, #tpu.memory_space<hbm>> -> memref<4x40x64xi32, #tpu.memory_space<hbm>>
          %dma_wait3A_107 = arith.constant 0 : i32
          %dma_wait3A_108 = arith.constant 0 : i32
          %dma_wait3A_109 = tpu.memref_slice %dma_wait3A_106[%add3A_28, %dma_wait3A_107, %dma_wait3A_108] : memref<4x40x64xi32, #tpu.memory_space<hbm>> -> memref<1x40x64xi32, #tpu.memory_space<hbm>>
          %dma_wait3A_110 = tpu.memref_squeeze %dma_wait3A_109 : memref<1x40x64xi32, #tpu.memory_space<hbm>> -> memref<40x64xi32, #tpu.memory_space<hbm>>
          %dma_wait3A_111 = arith.constant 0 : i32
          %dma_wait3A_112 = arith.constant 0 : i32
          %dma_wait3A_113 = arith.constant 0 : i32
          %dma_wait3A_114 = tpu.memref_slice %arg5[%arg1, %dma_wait3A_111, %dma_wait3A_112, %dma_wait3A_113] : memref<16x4x40x64xi32, #tpu.memory_space<hbm>> -> memref<1x4x40x64xi32, #tpu.memory_space<hbm>>
          %dma_wait3A_115 = tpu.memref_squeeze %dma_wait3A_114 : memref<1x4x40x64xi32, #tpu.memory_space<hbm>> -> memref<4x40x64xi32, #tpu.memory_space<hbm>>
          %dma_wait3A_116 = arith.constant 0 : i32
          %dma_wait3A_117 = arith.constant 0 : i32
          %dma_wait3A_118 = tpu.memref_slice %dma_wait3A_115[%add3A_28, %dma_wait3A_116, %dma_wait3A_117] : memref<4x40x64xi32, #tpu.memory_space<hbm>> -> memref<1x40x64xi32, #tpu.memory_space<hbm>>
          %dma_wait3A_119 = tpu.memref_squeeze %dma_wait3A_118 : memref<1x40x64xi32, #tpu.memory_space<hbm>> -> memref<40x64xi32, #tpu.memory_space<hbm>>
          tpu.wait_dma2 semaphore(%run_scoped3A_83 : memref<!tpu.dma_semaphore, #tpu.memory_space<semaphore_mem>>) src(%dma_wait3A_119 : memref<40x64xi32, #tpu.memory_space<hbm>>) dst(%arg8 : memref<40x64xi32, #tpu.memory_space<vmem>>)
          tpu.yield
        }) : () -> ()
        %dma_start3A = arith.constant 0 : i32
        %dma_start3A_29 = arith.constant 0 : i32
        %dma_start3A_30 = arith.constant 0 : i32
        %dma_start3A_31 = arith.constant 0 : i32
        %dma_start3A_32 = tpu.memref_slice %arg9[%dma_start3A_29, %dma_start3A_30, %dma_start3A_31] : memref<4x64x128xf32, #tpu.memory_space<vmem>> -> memref<1x64x128xf32, #tpu.memory_space<vmem>>
        %dma_start3A_33 = tpu.memref_squeeze %dma_start3A_32 : memref<1x64x128xf32, #tpu.memory_space<vmem>> -> memref<64x128xf32, #tpu.memory_space<vmem>>
        %dma_start3A_34 = arith.constant 0 : i32
        %dma_start3A_35 = tpu.memref_slice %arg8[%dma_start3A, %dma_start3A_34] : memref<40x64xi32, #tpu.memory_space<vmem>> -> memref<1x64xi32, #tpu.memory_space<vmem>>
        %dma_start3A_36 = tpu.memref_squeeze %dma_start3A_35 : memref<1x64xi32, #tpu.memory_space<vmem>> -> memref<64xi32, #tpu.memory_space<vmem>>
        %dma_start3A_37 = arith.constant 0 : i32
        %dma_start3A_38 = arith.constant 0 : i32
        %dma_start3A_39 = tpu.memref_slice %arg3[%dma_start3A_37, %dma_start3A_38] : memref<10240x128xf32, #tpu.memory_space<hbm>> -> memref<10240x128xf32, #tpu.memory_space<hbm>>
        tpu.enqueue_indirect_dma source(%dma_start3A_39 : memref<10240x128xf32, #tpu.memory_space<hbm>>) target(%dma_start3A_33 : memref<64x128xf32, #tpu.memory_space<vmem>>) offsets(%dma_start3A_36 : memref<64xi32, #tpu.memory_space<vmem>>) semaphore(%arg11 : memref<!tpu.dma_semaphore, #tpu.memory_space<semaphore_mem>>)
        %dma_start3A_40 = arith.constant 1 : i32
        %dma_start3A_41 = arith.constant 1 : i32
        %dma_start3A_42 = arith.constant 0 : i32
        %dma_start3A_43 = arith.constant 0 : i32
        %dma_start3A_44 = tpu.memref_slice %arg9[%dma_start3A_41, %dma_start3A_42, %dma_start3A_43] : memref<4x64x128xf32, #tpu.memory_space<vmem>> -> memref<1x64x128xf32, #tpu.memory_space<vmem>>
        %dma_start3A_45 = tpu.memref_squeeze %dma_start3A_44 : memref<1x64x128xf32, #tpu.memory_space<vmem>> -> memref<64x128xf32, #tpu.memory_space<vmem>>
        %dma_start3A_46 = arith.constant 0 : i32
        %dma_start3A_47 = tpu.memref_slice %arg8[%dma_start3A_40, %dma_start3A_46] : memref<40x64xi32, #tpu.memory_space<vmem>> -> memref<1x64xi32, #tpu.memory_space<vmem>>
        %dma_start3A_48 = tpu.memref_squeeze %dma_start3A_47 : memref<1x64xi32, #tpu.memory_space<vmem>> -> memref<64xi32, #tpu.memory_space<vmem>>
        %dma_start3A_49 = arith.constant 0 : i32
        %dma_start3A_50 = arith.constant 0 : i32
        %dma_start3A_51 = tpu.memref_slice %arg3[%dma_start3A_49, %dma_start3A_50] : memref<10240x128xf32, #tpu.memory_space<hbm>> -> memref<10240x128xf32, #tpu.memory_space<hbm>>
        tpu.enqueue_indirect_dma source(%dma_start3A_51 : memref<10240x128xf32, #tpu.memory_space<hbm>>) target(%dma_start3A_45 : memref<64x128xf32, #tpu.memory_space<vmem>>) offsets(%dma_start3A_48 : memref<64xi32, #tpu.memory_space<vmem>>) semaphore(%arg12 : memref<!tpu.dma_semaphore, #tpu.memory_space<semaphore_mem>>)
        %scan3A_52 = arith.constant 0 : i32
        %scan3A_53 = arith.constant 19 : i32
        %scan3A_54 = arith.addi %scan3A_52, %scan3A_53 : i32
        %scan3A_55 = arith.constant 1 : i32
        scf.for %scan3A_83 = %scan3A_52 to %scan3A_54 step %scan3A_55  : i32 {
          %mul3A_84 = arith.constant 1 : i32
          %mul3A_85 = arith.muli %scan3A_83, %mul3A_84 : i32
          %add3A_86 = arith.constant 0 : i32
          %add3A_87 = arith.addi %add3A_86, %mul3A_85 : i32
          %mul3A_88 = arith.constant 2 : i32
          %mul3A_89 = arith.muli %add3A_87, %mul3A_88 : i32
          %dma_wait3A_90 = arith.constant 0 : i32
          %dma_wait3A_91 = arith.constant 0 : i32
          %dma_wait3A_92 = arith.constant 0 : i32
          %dma_wait3A_93 = tpu.memref_slice %arg9[%dma_wait3A_90, %dma_wait3A_91, %dma_wait3A_92] : memref<4x64x128xf32, #tpu.memory_space<vmem>> -> memref<1x64x128xf32, #tpu.memory_space<vmem>>
          %dma_wait3A_94 = tpu.memref_squeeze %dma_wait3A_93 : memref<1x64x128xf32, #tpu.memory_space<vmem>> -> memref<64x128xf32, #tpu.memory_space<vmem>>
          %dma_wait3A_95 = arith.constant 0 : i32
          %dma_wait3A_96 = tpu.memref_slice %arg8[%mul3A_89, %dma_wait3A_95] : memref<40x64xi32, #tpu.memory_space<vmem>> -> memref<1x64xi32, #tpu.memory_space<vmem>>
          %dma_wait3A_97 = tpu.memref_squeeze %dma_wait3A_96 : memref<1x64xi32, #tpu.memory_space<vmem>> -> memref<64xi32, #tpu.memory_space<vmem>>
          %dma_wait3A_98 = arith.constant 0 : i32
          %dma_wait3A_99 = arith.constant 0 : i32
          %dma_wait3A_100 = tpu.memref_slice %arg3[%dma_wait3A_98, %dma_wait3A_99] : memref<10240x128xf32, #tpu.memory_space<hbm>> -> memref<10240x128xf32, #tpu.memory_space<hbm>>
          tpu.wait_indirect_dma semaphore(%arg11 : memref<!tpu.dma_semaphore, #tpu.memory_space<semaphore_mem>>) src(%dma_wait3A_100 : memref<10240x128xf32, #tpu.memory_space<hbm>>) dst(%dma_wait3A_94 : memref<64x128xf32, #tpu.memory_space<vmem>>)
          %run_scoped3A_101 = arith.constant 0 : i32
          "tpu.region"() ({
            %run_scoped3A_144 = tpu.sem_alloc : memref<!tpu.dma_semaphore, #tpu.memory_space<semaphore_mem>>
            %dma_start3A_145 = arith.constant 0 : i32
            %dma_start3A_146 = arith.constant 0 : i32
            %dma_start3A_147 = tpu.memref_slice %arg9[%run_scoped3A_101, %dma_start3A_145, %dma_start3A_146] : memref<4x64x128xf32, #tpu.memory_space<vmem>> -> memref<1x64x128xf32, #tpu.memory_space<vmem>>
            %dma_start3A_148 = tpu.memref_squeeze %dma_start3A_147 : memref<1x64x128xf32, #tpu.memory_space<vmem>> -> memref<64x128xf32, #tpu.memory_space<vmem>>
            %dma_start3A_149 = arith.constant 0 : i32
            %dma_start3A_150 = tpu.memref_slice %arg7[%mul3A_89, %dma_start3A_149] : memref<40x64xi32, #tpu.memory_space<vmem>> -> memref<1x64xi32, #tpu.memory_space<vmem>>
            %dma_start3A_151 = tpu.memref_squeeze %dma_start3A_150 : memref<1x64xi32, #tpu.memory_space<vmem>> -> memref<64xi32, #tpu.memory_space<vmem>>
            %dma_start3A_152 = arith.constant 0 : i32
            %dma_start3A_153 = arith.constant 0 : i32
            %dma_start3A_154 = tpu.memref_slice %arg10[%dma_start3A_152, %dma_start3A_153] : memref<10240x128xf32, #tpu.memory_space<vmem_shared>> -> memref<10240x128xf32, #tpu.memory_space<vmem_shared>>
            tpu.enqueue_indirect_dma source(%dma_start3A_148 : memref<64x128xf32, #tpu.memory_space<vmem>>) target(%dma_start3A_154 : memref<10240x128xf32, #tpu.memory_space<vmem_shared>>) offsets(%dma_start3A_151 : memref<64xi32, #tpu.memory_space<vmem>>) semaphore(%run_scoped3A_144 : memref<!tpu.dma_semaphore, #tpu.memory_space<semaphore_mem>>) {add = true}
            %dma_wait3A_155 = arith.constant 0 : i32
            %dma_wait3A_156 = arith.constant 0 : i32
            %dma_wait3A_157 = tpu.memref_slice %arg9[%run_scoped3A_101, %dma_wait3A_155, %dma_wait3A_156] : memref<4x64x128xf32, #tpu.memory_space<vmem>> -> memref<1x64x128xf32, #tpu.memory_space<vmem>>
            %dma_wait3A_158 = tpu.memref_squeeze %dma_wait3A_157 : memref<1x64x128xf32, #tpu.memory_space<vmem>> -> memref<64x128xf32, #tpu.memory_space<vmem>>
            %dma_wait3A_159 = arith.constant 0 : i32
            %dma_wait3A_160 = tpu.memref_slice %arg7[%mul3A_89, %dma_wait3A_159] : memref<40x64xi32, #tpu.memory_space<vmem>> -> memref<1x64xi32, #tpu.memory_space<vmem>>
            %dma_wait3A_161 = tpu.memref_squeeze %dma_wait3A_160 : memref<1x64xi32, #tpu.memory_space<vmem>> -> memref<64xi32, #tpu.memory_space<vmem>>
            %dma_wait3A_162 = arith.constant 0 : i32
            %dma_wait3A_163 = arith.constant 0 : i32
            %dma_wait3A_164 = tpu.memref_slice %arg10[%dma_wait3A_162, %dma_wait3A_163] : memref<10240x128xf32, #tpu.memory_space<vmem_shared>> -> memref<10240x128xf32, #tpu.memory_space<vmem_shared>>
            tpu.wait_indirect_dma semaphore(%run_scoped3A_144 : memref<!tpu.dma_semaphore, #tpu.memory_space<semaphore_mem>>) src(%dma_wait3A_158 : memref<64x128xf32, #tpu.memory_space<vmem>>) dst(%dma_wait3A_164 : memref<10240x128xf32, #tpu.memory_space<vmem_shared>>)
            tpu.yield
          }) : () -> ()
          %add3A_102 = arith.constant 2 : i32
          %add3A_103 = arith.addi %mul3A_89, %add3A_102 : i32
          %dma_start3A_104 = arith.constant 0 : i32
          %dma_start3A_105 = arith.constant 0 : i32
          %dma_start3A_106 = arith.constant 0 : i32
          %dma_start3A_107 = tpu.memref_slice %arg9[%dma_start3A_104, %dma_start3A_105, %dma_start3A_106] : memref<4x64x128xf32, #tpu.memory_space<vmem>> -> memref<1x64x128xf32, #tpu.memory_space<vmem>>
          %dma_start3A_108 = tpu.memref_squeeze %dma_start3A_107 : memref<1x64x128xf32, #tpu.memory_space<vmem>> -> memref<64x128xf32, #tpu.memory_space<vmem>>
          %dma_start3A_109 = arith.constant 0 : i32
          %dma_start3A_110 = tpu.memref_slice %arg8[%add3A_103, %dma_start3A_109] : memref<40x64xi32, #tpu.memory_space<vmem>> -> memref<1x64xi32, #tpu.memory_space<vmem>>
          %dma_start3A_111 = tpu.memref_squeeze %dma_start3A_110 : memref<1x64xi32, #tpu.memory_space<vmem>> -> memref<64xi32, #tpu.memory_space<vmem>>
          %dma_start3A_112 = arith.constant 0 : i32
          %dma_start3A_113 = arith.constant 0 : i32
          %dma_start3A_114 = tpu.memref_slice %arg3[%dma_start3A_112, %dma_start3A_113] : memref<10240x128xf32, #tpu.memory_space<hbm>> -> memref<10240x128xf32, #tpu.memory_space<hbm>>
          tpu.enqueue_indirect_dma source(%dma_start3A_114 : memref<10240x128xf32, #tpu.memory_space<hbm>>) target(%dma_start3A_108 : memref<64x128xf32, #tpu.memory_space<vmem>>) offsets(%dma_start3A_111 : memref<64xi32, #tpu.memory_space<vmem>>) semaphore(%arg11 : memref<!tpu.dma_semaphore, #tpu.memory_space<semaphore_mem>>)
          %add3A_115 = arith.constant 1 : i32
          %add3A_116 = arith.addi %mul3A_89, %add3A_115 : i32
          %dma_wait3A_117 = arith.constant 1 : i32
          %dma_wait3A_118 = arith.constant 0 : i32
          %dma_wait3A_119 = arith.constant 0 : i32
          %dma_wait3A_120 = tpu.memref_slice %arg9[%dma_wait3A_117, %dma_wait3A_118, %dma_wait3A_119] : memref<4x64x128xf32, #tpu.memory_space<vmem>> -> memref<1x64x128xf32, #tpu.memory_space<vmem>>
          %dma_wait3A_121 = tpu.memref_squeeze %dma_wait3A_120 : memref<1x64x128xf32, #tpu.memory_space<vmem>> -> memref<64x128xf32, #tpu.memory_space<vmem>>
          %dma_wait3A_122 = arith.constant 0 : i32
          %dma_wait3A_123 = tpu.memref_slice %arg8[%add3A_116, %dma_wait3A_122] : memref<40x64xi32, #tpu.memory_space<vmem>> -> memref<1x64xi32, #tpu.memory_space<vmem>>
          %dma_wait3A_124 = tpu.memref_squeeze %dma_wait3A_123 : memref<1x64xi32, #tpu.memory_space<vmem>> -> memref<64xi32, #tpu.memory_space<vmem>>
          %dma_wait3A_125 = arith.constant 0 : i32
          %dma_wait3A_126 = arith.constant 0 : i32
          %dma_wait3A_127 = tpu.memref_slice %arg3[%dma_wait3A_125, %dma_wait3A_126] : memref<10240x128xf32, #tpu.memory_space<hbm>> -> memref<10240x128xf32, #tpu.memory_space<hbm>>
          tpu.wait_indirect_dma semaphore(%arg12 : memref<!tpu.dma_semaphore, #tpu.memory_space<semaphore_mem>>) src(%dma_wait3A_127 : memref<10240x128xf32, #tpu.memory_space<hbm>>) dst(%dma_wait3A_121 : memref<64x128xf32, #tpu.memory_space<vmem>>)
          %add3A_128 = arith.constant 1 : i32
          %add3A_129 = arith.addi %mul3A_89, %add3A_128 : i32
          %run_scoped3A_130 = arith.constant 1 : i32
          "tpu.region"() ({
            %run_scoped3A_144 = tpu.sem_alloc : memref<!tpu.dma_semaphore, #tpu.memory_space<semaphore_mem>>
            %dma_start3A_145 = arith.constant 0 : i32
            %dma_start3A_146 = arith.constant 0 : i32
            %dma_start3A_147 = tpu.memref_slice %arg9[%run_scoped3A_130, %dma_start3A_145, %dma_start3A_146] : memref<4x64x128xf32, #tpu.memory_space<vmem>> -> memref<1x64x128xf32, #tpu.memory_space<vmem>>
            %dma_start3A_148 = tpu.memref_squeeze %dma_start3A_147 : memref<1x64x128xf32, #tpu.memory_space<vmem>> -> memref<64x128xf32, #tpu.memory_space<vmem>>
            %dma_start3A_149 = arith.constant 0 : i32
            %dma_start3A_150 = tpu.memref_slice %arg7[%add3A_129, %dma_start3A_149] : memref<40x64xi32, #tpu.memory_space<vmem>> -> memref<1x64xi32, #tpu.memory_space<vmem>>
            %dma_start3A_151 = tpu.memref_squeeze %dma_start3A_150 : memref<1x64xi32, #tpu.memory_space<vmem>> -> memref<64xi32, #tpu.memory_space<vmem>>
            %dma_start3A_152 = arith.constant 0 : i32
            %dma_start3A_153 = arith.constant 0 : i32
            %dma_start3A_154 = tpu.memref_slice %arg10[%dma_start3A_152, %dma_start3A_153] : memref<10240x128xf32, #tpu.memory_space<vmem_shared>> -> memref<10240x128xf32, #tpu.memory_space<vmem_shared>>
            tpu.enqueue_indirect_dma source(%dma_start3A_148 : memref<64x128xf32, #tpu.memory_space<vmem>>) target(%dma_start3A_154 : memref<10240x128xf32, #tpu.memory_space<vmem_shared>>) offsets(%dma_start3A_151 : memref<64xi32, #tpu.memory_space<vmem>>) semaphore(%run_scoped3A_144 : memref<!tpu.dma_semaphore, #tpu.memory_space<semaphore_mem>>) {add = true}
            %dma_wait3A_155 = arith.constant 0 : i32
            %dma_wait3A_156 = arith.constant 0 : i32
            %dma_wait3A_157 = tpu.memref_slice %arg9[%run_scoped3A_130, %dma_wait3A_155, %dma_wait3A_156] : memref<4x64x128xf32, #tpu.memory_space<vmem>> -> memref<1x64x128xf32, #tpu.memory_space<vmem>>
            %dma_wait3A_158 = tpu.memref_squeeze %dma_wait3A_157 : memref<1x64x128xf32, #tpu.memory_space<vmem>> -> memref<64x128xf32, #tpu.memory_space<vmem>>
            %dma_wait3A_159 = arith.constant 0 : i32
            %dma_wait3A_160 = tpu.memref_slice %arg7[%add3A_129, %dma_wait3A_159] : memref<40x64xi32, #tpu.memory_space<vmem>> -> memref<1x64xi32, #tpu.memory_space<vmem>>
            %dma_wait3A_161 = tpu.memref_squeeze %dma_wait3A_160 : memref<1x64xi32, #tpu.memory_space<vmem>> -> memref<64xi32, #tpu.memory_space<vmem>>
            %dma_wait3A_162 = arith.constant 0 : i32
            %dma_wait3A_163 = arith.constant 0 : i32
            %dma_wait3A_164 = tpu.memref_slice %arg10[%dma_wait3A_162, %dma_wait3A_163] : memref<10240x128xf32, #tpu.memory_space<vmem_shared>> -> memref<10240x128xf32, #tpu.memory_space<vmem_shared>>
            tpu.wait_indirect_dma semaphore(%run_scoped3A_144 : memref<!tpu.dma_semaphore, #tpu.memory_space<semaphore_mem>>) src(%dma_wait3A_158 : memref<64x128xf32, #tpu.memory_space<vmem>>) dst(%dma_wait3A_164 : memref<10240x128xf32, #tpu.memory_space<vmem_shared>>)
            tpu.yield
          }) : () -> ()
          %add3A_131 = arith.constant 3 : i32
          %add3A_132 = arith.addi %mul3A_89, %add3A_131 : i32
          %dma_start3A_133 = arith.constant 1 : i32
          %dma_start3A_134 = arith.constant 0 : i32
          %dma_start3A_135 = arith.constant 0 : i32
          %dma_start3A_136 = tpu.memref_slice %arg9[%dma_start3A_133, %dma_start3A_134, %dma_start3A_135] : memref<4x64x128xf32, #tpu.memory_space<vmem>> -> memref<1x64x128xf32, #tpu.memory_space<vmem>>
          %dma_start3A_137 = tpu.memref_squeeze %dma_start3A_136 : memref<1x64x128xf32, #tpu.memory_space<vmem>> -> memref<64x128xf32, #tpu.memory_space<vmem>>
          %dma_start3A_138 = arith.constant 0 : i32
          %dma_start3A_139 = tpu.memref_slice %arg8[%add3A_132, %dma_start3A_138] : memref<40x64xi32, #tpu.memory_space<vmem>> -> memref<1x64xi32, #tpu.memory_space<vmem>>
          %dma_start3A_140 = tpu.memref_squeeze %dma_start3A_139 : memref<1x64xi32, #tpu.memory_space<vmem>> -> memref<64xi32, #tpu.memory_space<vmem>>
          %dma_start3A_141 = arith.constant 0 : i32
          %dma_start3A_142 = arith.constant 0 : i32
          %dma_start3A_143 = tpu.memref_slice %arg3[%dma_start3A_141, %dma_start3A_142] : memref<10240x128xf32, #tpu.memory_space<hbm>> -> memref<10240x128xf32, #tpu.memory_space<hbm>>
          tpu.enqueue_indirect_dma source(%dma_start3A_143 : memref<10240x128xf32, #tpu.memory_space<hbm>>) target(%dma_start3A_137 : memref<64x128xf32, #tpu.memory_space<vmem>>) offsets(%dma_start3A_140 : memref<64xi32, #tpu.memory_space<vmem>>) semaphore(%arg12 : memref<!tpu.dma_semaphore, #tpu.memory_space<semaphore_mem>>)
        }
        %scan3A_56 = arith.constant 19 : i32
        %dma_wait3A = arith.constant 38 : i32
        %dma_wait3A_57 = arith.constant 0 : i32
        %dma_wait3A_58 = arith.constant 0 : i32
        %dma_wait3A_59 = arith.constant 0 : i32
        %dma_wait3A_60 = tpu.memref_slice %arg9[%dma_wait3A_57, %dma_wait3A_58, %dma_wait3A_59] : memref<4x64x128xf32, #tpu.memory_space<vmem>> -> memref<1x64x128xf32, #tpu.memory_space<vmem>>
        %dma_wait3A_61 = tpu.memref_squeeze %dma_wait3A_60 : memref<1x64x128xf32, #tpu.memory_space<vmem>> -> memref<64x128xf32, #tpu.memory_space<vmem>>
        %dma_wait3A_62 = arith.constant 0 : i32
        %dma_wait3A_63 = tpu.memref_slice %arg8[%dma_wait3A, %dma_wait3A_62] : memref<40x64xi32, #tpu.memory_space<vmem>> -> memref<1x64xi32, #tpu.memory_space<vmem>>
        %dma_wait3A_64 = tpu.memref_squeeze %dma_wait3A_63 : memref<1x64xi32, #tpu.memory_space<vmem>> -> memref<64xi32, #tpu.memory_space<vmem>>
        %dma_wait3A_65 = arith.constant 0 : i32
        %dma_wait3A_66 = arith.constant 0 : i32
        %dma_wait3A_67 = tpu.memref_slice %arg3[%dma_wait3A_65, %dma_wait3A_66] : memref<10240x128xf32, #tpu.memory_space<hbm>> -> memref<10240x128xf32, #tpu.memory_space<hbm>>
        tpu.wait_indirect_dma semaphore(%arg11 : memref<!tpu.dma_semaphore, #tpu.memory_space<semaphore_mem>>) src(%dma_wait3A_67 : memref<10240x128xf32, #tpu.memory_space<hbm>>) dst(%dma_wait3A_61 : memref<64x128xf32, #tpu.memory_space<vmem>>)
        %run_scoped3A = arith.constant 0 : i32
        %run_scoped3A_68 = arith.constant 38 : i32
        "tpu.region"() ({
          %run_scoped3A_83 = tpu.sem_alloc : memref<!tpu.dma_semaphore, #tpu.memory_space<semaphore_mem>>
          %dma_start3A_84 = arith.constant 0 : i32
          %dma_start3A_85 = arith.constant 0 : i32
          %dma_start3A_86 = tpu.memref_slice %arg9[%run_scoped3A, %dma_start3A_84, %dma_start3A_85] : memref<4x64x128xf32, #tpu.memory_space<vmem>> -> memref<1x64x128xf32, #tpu.memory_space<vmem>>
          %dma_start3A_87 = tpu.memref_squeeze %dma_start3A_86 : memref<1x64x128xf32, #tpu.memory_space<vmem>> -> memref<64x128xf32, #tpu.memory_space<vmem>>
          %dma_start3A_88 = arith.constant 0 : i32
          %dma_start3A_89 = tpu.memref_slice %arg7[%run_scoped3A_68, %dma_start3A_88] : memref<40x64xi32, #tpu.memory_space<vmem>> -> memref<1x64xi32, #tpu.memory_space<vmem>>
          %dma_start3A_90 = tpu.memref_squeeze %dma_start3A_89 : memref<1x64xi32, #tpu.memory_space<vmem>> -> memref<64xi32, #tpu.memory_space<vmem>>
          %dma_start3A_91 = arith.constant 0 : i32
          %dma_start3A_92 = arith.constant 0 : i32
          %dma_start3A_93 = tpu.memref_slice %arg10[%dma_start3A_91, %dma_start3A_92] : memref<10240x128xf32, #tpu.memory_space<vmem_shared>> -> memref<10240x128xf32, #tpu.memory_space<vmem_shared>>
          tpu.enqueue_indirect_dma source(%dma_start3A_87 : memref<64x128xf32, #tpu.memory_space<vmem>>) target(%dma_start3A_93 : memref<10240x128xf32, #tpu.memory_space<vmem_shared>>) offsets(%dma_start3A_90 : memref<64xi32, #tpu.memory_space<vmem>>) semaphore(%run_scoped3A_83 : memref<!tpu.dma_semaphore, #tpu.memory_space<semaphore_mem>>) {add = true}
          %dma_wait3A_94 = arith.constant 0 : i32
          %dma_wait3A_95 = arith.constant 0 : i32
          %dma_wait3A_96 = tpu.memref_slice %arg9[%run_scoped3A, %dma_wait3A_94, %dma_wait3A_95] : memref<4x64x128xf32, #tpu.memory_space<vmem>> -> memref<1x64x128xf32, #tpu.memory_space<vmem>>
          %dma_wait3A_97 = tpu.memref_squeeze %dma_wait3A_96 : memref<1x64x128xf32, #tpu.memory_space<vmem>> -> memref<64x128xf32, #tpu.memory_space<vmem>>
          %dma_wait3A_98 = arith.constant 0 : i32
          %dma_wait3A_99 = tpu.memref_slice %arg7[%run_scoped3A_68, %dma_wait3A_98] : memref<40x64xi32, #tpu.memory_space<vmem>> -> memref<1x64xi32, #tpu.memory_space<vmem>>
          %dma_wait3A_100 = tpu.memref_squeeze %dma_wait3A_99 : memref<1x64xi32, #tpu.memory_space<vmem>> -> memref<64xi32, #tpu.memory_space<vmem>>
          %dma_wait3A_101 = arith.constant 0 : i32
          %dma_wait3A_102 = arith.constant 0 : i32
          %dma_wait3A_103 = tpu.memref_slice %arg10[%dma_wait3A_101, %dma_wait3A_102] : memref<10240x128xf32, #tpu.memory_space<vmem_shared>> -> memref<10240x128xf32, #tpu.memory_space<vmem_shared>>
          tpu.wait_indirect_dma semaphore(%run_scoped3A_83 : memref<!tpu.dma_semaphore, #tpu.memory_space<semaphore_mem>>) src(%dma_wait3A_97 : memref<64x128xf32, #tpu.memory_space<vmem>>) dst(%dma_wait3A_103 : memref<10240x128xf32, #tpu.memory_space<vmem_shared>>)
          tpu.yield
        }) : () -> ()
        %dma_wait3A_69 = arith.constant 39 : i32
        %dma_wait3A_70 = arith.constant 1 : i32
        %dma_wait3A_71 = arith.constant 0 : i32
        %dma_wait3A_72 = arith.constant 0 : i32
        %dma_wait3A_73 = tpu.memref_slice %arg9[%dma_wait3A_70, %dma_wait3A_71, %dma_wait3A_72] : memref<4x64x128xf32, #tpu.memory_space<vmem>> -> memref<1x64x128xf32, #tpu.memory_space<vmem>>
        %dma_wait3A_74 = tpu.memref_squeeze %dma_wait3A_73 : memref<1x64x128xf32, #tpu.memory_space<vmem>> -> memref<64x128xf32, #tpu.memory_space<vmem>>
        %dma_wait3A_75 = arith.constant 0 : i32
        %dma_wait3A_76 = tpu.memref_slice %arg8[%dma_wait3A_69, %dma_wait3A_75] : memref<40x64xi32, #tpu.memory_space<vmem>> -> memref<1x64xi32, #tpu.memory_space<vmem>>
        %dma_wait3A_77 = tpu.memref_squeeze %dma_wait3A_76 : memref<1x64xi32, #tpu.memory_space<vmem>> -> memref<64xi32, #tpu.memory_space<vmem>>
        %dma_wait3A_78 = arith.constant 0 : i32
        %dma_wait3A_79 = arith.constant 0 : i32
        %dma_wait3A_80 = tpu.memref_slice %arg3[%dma_wait3A_78, %dma_wait3A_79] : memref<10240x128xf32, #tpu.memory_space<hbm>> -> memref<10240x128xf32, #tpu.memory_space<hbm>>
        tpu.wait_indirect_dma semaphore(%arg12 : memref<!tpu.dma_semaphore, #tpu.memory_space<semaphore_mem>>) src(%dma_wait3A_80 : memref<10240x128xf32, #tpu.memory_space<hbm>>) dst(%dma_wait3A_74 : memref<64x128xf32, #tpu.memory_space<vmem>>)
        %run_scoped3A_81 = arith.constant 1 : i32
        %run_scoped3A_82 = arith.constant 39 : i32
        "tpu.region"() ({
          %run_scoped3A_83 = tpu.sem_alloc : memref<!tpu.dma_semaphore, #tpu.memory_space<semaphore_mem>>
          %dma_start3A_84 = arith.constant 0 : i32
          %dma_start3A_85 = arith.constant 0 : i32
          %dma_start3A_86 = tpu.memref_slice %arg9[%run_scoped3A_81, %dma_start3A_84, %dma_start3A_85] : memref<4x64x128xf32, #tpu.memory_space<vmem>> -> memref<1x64x128xf32, #tpu.memory_space<vmem>>
          %dma_start3A_87 = tpu.memref_squeeze %dma_start3A_86 : memref<1x64x128xf32, #tpu.memory_space<vmem>> -> memref<64x128xf32, #tpu.memory_space<vmem>>
          %dma_start3A_88 = arith.constant 0 : i32
          %dma_start3A_89 = tpu.memref_slice %arg7[%run_scoped3A_82, %dma_start3A_88] : memref<40x64xi32, #tpu.memory_space<vmem>> -> memref<1x64xi32, #tpu.memory_space<vmem>>
          %dma_start3A_90 = tpu.memref_squeeze %dma_start3A_89 : memref<1x64xi32, #tpu.memory_space<vmem>> -> memref<64xi32, #tpu.memory_space<vmem>>
          %dma_start3A_91 = arith.constant 0 : i32
          %dma_start3A_92 = arith.constant 0 : i32
          %dma_start3A_93 = tpu.memref_slice %arg10[%dma_start3A_91, %dma_start3A_92] : memref<10240x128xf32, #tpu.memory_space<vmem_shared>> -> memref<10240x128xf32, #tpu.memory_space<vmem_shared>>
          tpu.enqueue_indirect_dma source(%dma_start3A_87 : memref<64x128xf32, #tpu.memory_space<vmem>>) target(%dma_start3A_93 : memref<10240x128xf32, #tpu.memory_space<vmem_shared>>) offsets(%dma_start3A_90 : memref<64xi32, #tpu.memory_space<vmem>>) semaphore(%run_scoped3A_83 : memref<!tpu.dma_semaphore, #tpu.memory_space<semaphore_mem>>) {add = true}
          %dma_wait3A_94 = arith.constant 0 : i32
          %dma_wait3A_95 = arith.constant 0 : i32
          %dma_wait3A_96 = tpu.memref_slice %arg9[%run_scoped3A_81, %dma_wait3A_94, %dma_wait3A_95] : memref<4x64x128xf32, #tpu.memory_space<vmem>> -> memref<1x64x128xf32, #tpu.memory_space<vmem>>
          %dma_wait3A_97 = tpu.memref_squeeze %dma_wait3A_96 : memref<1x64x128xf32, #tpu.memory_space<vmem>> -> memref<64x128xf32, #tpu.memory_space<vmem>>
          %dma_wait3A_98 = arith.constant 0 : i32
          %dma_wait3A_99 = tpu.memref_slice %arg7[%run_scoped3A_82, %dma_wait3A_98] : memref<40x64xi32, #tpu.memory_space<vmem>> -> memref<1x64xi32, #tpu.memory_space<vmem>>
          %dma_wait3A_100 = tpu.memref_squeeze %dma_wait3A_99 : memref<1x64xi32, #tpu.memory_space<vmem>> -> memref<64xi32, #tpu.memory_space<vmem>>
          %dma_wait3A_101 = arith.constant 0 : i32
          %dma_wait3A_102 = arith.constant 0 : i32
          %dma_wait3A_103 = tpu.memref_slice %arg10[%dma_wait3A_101, %dma_wait3A_102] : memref<10240x128xf32, #tpu.memory_space<vmem_shared>> -> memref<10240x128xf32, #tpu.memory_space<vmem_shared>>
          tpu.wait_indirect_dma semaphore(%run_scoped3A_83 : memref<!tpu.dma_semaphore, #tpu.memory_space<semaphore_mem>>) src(%dma_wait3A_97 : memref<64x128xf32, #tpu.memory_space<vmem>>) dst(%dma_wait3A_103 : memref<10240x128xf32, #tpu.memory_space<vmem_shared>>)
          tpu.yield
        }) : () -> ()
      }
      %scan3A_24 = arith.constant 4 : i32
    } else {
    }
    %barrier3A_16 = arith.constant 0 : index
    tpu.barrier barrier_id(%barrier3A_16)
    %mul3A = arith.constant 640 : i32
    %mul3A_17 = arith.muli %arg1, %mul3A : i32
    %mul3A_18 = arith.constant 640 : i32
    %mul3A_19 = arith.muli %arg1, %mul3A_18 : i32
    "tpu.region"() ({
      %run_scoped3A = tpu.sem_alloc : memref<!tpu.dma_semaphore, #tpu.memory_space<semaphore_mem>>
      %dma_start3A = arith.constant 0 : i32
      %dma_start3A_20 = arith.constant 0 : i32
      %dma_start3A_21 = tpu.memref_slice %arg6[%arg0, %dma_start3A, %dma_start3A_20] : memref<2x10240x128xf32, #tpu.memory_space<hbm>> -> memref<1x10240x128xf32, #tpu.memory_space<hbm>>
      %dma_start3A_22 = tpu.memref_squeeze %dma_start3A_21 : memref<1x10240x128xf32, #tpu.memory_space<hbm>> -> memref<10240x128xf32, #tpu.memory_space<hbm>>
      %dma_start3A_23 = arith.constant 0 : i32
      %dma_start3A_24 = tpu.memref_slice %dma_start3A_22[%mul3A_19, %dma_start3A_23] : memref<10240x128xf32, #tpu.memory_space<hbm>> -> memref<640x128xf32, #tpu.memory_space<hbm>>
      %dma_start3A_25 = arith.constant 0 : i32
      %dma_start3A_26 = tpu.memref_slice %arg10[%mul3A_17, %dma_start3A_25] : memref<10240x128xf32, #tpu.memory_space<vmem_shared>> -> memref<640x128xf32, #tpu.memory_space<vmem_shared>>
      tpu.enqueue_dma source(%dma_start3A_26 : memref<640x128xf32, #tpu.memory_space<vmem_shared>>) target(%dma_start3A_24 : memref<640x128xf32, #tpu.memory_space<hbm>>) target_semaphore(%run_scoped3A : memref<!tpu.dma_semaphore, #tpu.memory_space<semaphore_mem>>)
      %dma_wait3A = arith.constant 0 : i32
      %dma_wait3A_27 = arith.constant 0 : i32
      %dma_wait3A_28 = tpu.memref_slice %arg6[%arg0, %dma_wait3A, %dma_wait3A_27] : memref<2x10240x128xf32, #tpu.memory_space<hbm>> -> memref<1x10240x128xf32, #tpu.memory_space<hbm>>
      %dma_wait3A_29 = tpu.memref_squeeze %dma_wait3A_28 : memref<1x10240x128xf32, #tpu.memory_space<hbm>> -> memref<10240x128xf32, #tpu.memory_space<hbm>>
      %dma_wait3A_30 = arith.constant 0 : i32
      %dma_wait3A_31 = tpu.memref_slice %dma_wait3A_29[%mul3A_19, %dma_wait3A_30] : memref<10240x128xf32, #tpu.memory_space<hbm>> -> memref<640x128xf32, #tpu.memory_space<hbm>>
      %dma_wait3A_32 = arith.constant 0 : i32
      %dma_wait3A_33 = tpu.memref_slice %arg10[%mul3A_17, %dma_wait3A_32] : memref<10240x128xf32, #tpu.memory_space<vmem_shared>> -> memref<640x128xf32, #tpu.memory_space<vmem_shared>>
      tpu.wait_dma2 semaphore(%run_scoped3A : memref<!tpu.dma_semaphore, #tpu.memory_space<semaphore_mem>>) src(%dma_wait3A_33 : memref<640x128xf32, #tpu.memory_space<vmem_shared>>) dst(%dma_wait3A_31 : memref<640x128xf32, #tpu.memory_space<hbm>>)
      tpu.yield
    }) : () -> ()
    return
  }
}

module attributes {stable_mosaic.version = 14 : i64} {
  func.func @_tc_linear_body(%arg0: i32, %arg1: memref<1024x256xf32, #tpu.memory_space<vmem>>, %arg2: memref<256x256xf32, #tpu.memory_space<vmem>>, %arg3: memref<1024x1xf32, #tpu.memory_space<vmem>>, %arg4: memref<1024x1xf32, #tpu.memory_space<vmem>>, %arg5: memref<1024x128xf32, #tpu.memory_space<vmem>>, %arg6: memref<1024x128xf32, #tpu.memory_space<vmem>>, %arg7: memref<1024x1xf32, #tpu.memory_space<vmem>>) attributes {dimension_semantics = [#tpu.dimension_semantics<arbitrary>], iteration_bounds = array<i64: 10>, scalar_prefetch = 0 : i64, scratch_operands = 0 : i64, tpu.core_type = #tpu.core_type<tc>, window_params = [{transform_indices = @transform_0, window_bounds = array<i64: 1024, 256>}, {pipeline_mode = #tpu.pipeline_mode<synchronous>, transform_indices = @transform_1, window_bounds = array<i64: 256, 256>}, {transform_indices = @transform_2, window_bounds = array<i64: 1024, 1>}, {transform_indices = @transform_3, window_bounds = array<i64: 1024, 1>}, {transform_indices = @transform_4, window_bounds = array<i64: 1024, 128>}, {transform_indices = @transform_5, window_bounds = array<i64: 1024, 128>}, {transform_indices = @transform_6, window_bounds = array<i64: 1024, 1>}]} {
    %get3A = arith.constant 0 : index
    %get3A_0 = arith.constant 0 : index
    %get3A_1 = vector.load %arg3[%get3A, %get3A_0] : memref<1024x1xf32, #tpu.memory_space<vmem>>, vector<1024x1xf32>
    %get3A_2 = arith.constant 0 : index
    %get3A_3 = arith.constant 0 : index
    %get3A_4 = vector.load %arg4[%get3A_2, %get3A_3] : memref<1024x1xf32, #tpu.memory_space<vmem>>, vector<1024x1xf32>
    %add3A = arith.addf %get3A_1, %get3A_4 : vector<1024x1xf32>
    %add3A_5 = arith.constant 1.000000e+00 : f32
    %add3A_6 = vector.broadcast %add3A_5 : f32 to vector<1024x1xf32>
    %add3A_7 = arith.addf %add3A, %add3A_6 : vector<1024x1xf32>
    %rsqrt3A = math.rsqrt %add3A_7 : vector<1024x1xf32>
    %swap3A = arith.constant 0 : index
    %swap3A_8 = arith.constant 0 : index
    %swap3A_9 = vector.load %arg7[%swap3A, %swap3A_8] : memref<1024x1xf32, #tpu.memory_space<vmem>>, vector<1024x1xf32>
    tpu.vector_store %arg7[%swap3A, %swap3A_8], %rsqrt3A {strides = array<i32>} : memref<1024x1xf32, #tpu.memory_space<vmem>>, vector<1024x1xf32>,
    %get3A_10 = arith.constant 0 : index
    %get3A_11 = arith.constant 0 : index
    %get3A_12 = vector.load %arg1[%get3A_10, %get3A_11] : memref<1024x256xf32, #tpu.memory_space<vmem>>, vector<1024x256xf32>
    %get3A_13 = arith.constant 0 : index
    %get3A_14 = arith.constant 0 : index
    %get3A_15 = vector.load %arg2[%get3A_13, %get3A_14] : memref<256x256xf32, #tpu.memory_space<vmem>>, vector<256x256xf32>
    %dot_general3A = arith.constant dense<0.000000e+00> : vector<1024x256xf32>
    %dot_general3A_16 = tpu.matmul %get3A_12, %get3A_15, %dot_general3A {dimension_numbers = #tpu.dot_dimension_numbers<[1], [0], [0], [1], [0, 0, 1, 1], [], []>, transpose_lhs_hint = false} : vector<1024x256xf32>, vector<256x256xf32>, vector<1024x256xf32> -> vector<1024x256xf32>
    %mul3A = vector.broadcast %rsqrt3A : vector<1024x1xf32> to vector<1024x256xf32>
    %mul3A_17 = arith.mulf %dot_general3A_16, %mul3A : vector<1024x256xf32>
    %slice3A = vector.extract_strided_slice %mul3A_17 {offsets = [0, 0], sizes = [1024, 128], strides = [1, 1]} : vector<1024x256xf32> to vector<1024x128xf32>
    %swap3A_18 = arith.constant 0 : index
    %swap3A_19 = arith.constant 0 : index
    %swap3A_20 = vector.load %arg5[%swap3A_18, %swap3A_19] : memref<1024x128xf32, #tpu.memory_space<vmem>>, vector<1024x128xf32>
    tpu.vector_store %arg5[%swap3A_18, %swap3A_19], %slice3A {strides = array<i32>} : memref<1024x128xf32, #tpu.memory_space<vmem>>, vector<1024x128xf32>,
    %slice3A_21 = vector.extract_strided_slice %mul3A_17 {offsets = [0, 128], sizes = [1024, 128], strides = [1, 1]} : vector<1024x256xf32> to vector<1024x128xf32>
    %swap3A_22 = arith.constant 0 : index
    %swap3A_23 = arith.constant 0 : index
    %swap3A_24 = vector.load %arg6[%swap3A_22, %swap3A_23] : memref<1024x128xf32, #tpu.memory_space<vmem>>, vector<1024x128xf32>
    tpu.vector_store %arg6[%swap3A_22, %swap3A_23], %slice3A_21 {strides = array<i32>} : memref<1024x128xf32, #tpu.memory_space<vmem>>, vector<1024x128xf32>,
    return
  }
  func.func @transform_0(%arg0: i32) -> (i32, i32) {
    %c0_i32 = arith.constant 0 : i32
    %c0_i32_0 = arith.constant 0 : i32
    return %arg0, %c0_i32 : i32, i32
  }
  func.func @transform_1(%arg0: i32) -> (i32, i32) {
    %c0_i32 = arith.constant 0 : i32
    %c0_i32_0 = arith.constant 0 : i32
    %c0_i32_1 = arith.constant 0 : i32
    return %c0_i32, %c0_i32_0 : i32, i32
  }
  func.func @transform_2(%arg0: i32) -> (i32, i32) {
    %c0_i32 = arith.constant 0 : i32
    %c0_i32_0 = arith.constant 0 : i32
    return %arg0, %c0_i32 : i32, i32
  }
  func.func @transform_3(%arg0: i32) -> (i32, i32) {
    %c0_i32 = arith.constant 0 : i32
    %c0_i32_0 = arith.constant 0 : i32
    return %arg0, %c0_i32 : i32, i32
  }
  func.func @transform_4(%arg0: i32) -> (i32, i32) {
    %c0_i32 = arith.constant 0 : i32
    %c0_i32_0 = arith.constant 0 : i32
    return %arg0, %c0_i32 : i32, i32
  }
  func.func @transform_5(%arg0: i32) -> (i32, i32) {
    %c0_i32 = arith.constant 0 : i32
    %c0_i32_0 = arith.constant 0 : i32
    return %arg0, %c0_i32 : i32, i32
  }
  func.func @transform_6(%arg0: i32) -> (i32, i32) {
    %c0_i32 = arith.constant 0 : i32
    %c0_i32_0 = arith.constant 0 : i32
    return %arg0, %c0_i32 : i32, i32
  }
}

module attributes {stable_mosaic.version = 14 : i64} {
  func.func @_tc_mlp_body(%arg0: i32, %arg1: memref<1024x128xf32, #tpu.memory_space<vmem>>, %arg2: memref<1024x128xf32, #tpu.memory_space<vmem>>, %arg3: memref<2x1024x128xf32, #tpu.memory_space<vmem>>, %arg4: memref<1024x1xf32, #tpu.memory_space<vmem>>, %arg5: memref<256x256xf32, #tpu.memory_space<vmem>>, %arg6: memref<1x256xf32, #tpu.memory_space<vmem>>, %arg7: memref<256x256xf32, #tpu.memory_space<vmem>>, %arg8: memref<1x256xf32, #tpu.memory_space<vmem>>, %arg9: memref<1024x256xf32, #tpu.memory_space<vmem>>) attributes {dimension_semantics = [#tpu.dimension_semantics<arbitrary>], iteration_bounds = array<i64: 10>, scalar_prefetch = 0 : i64, scratch_operands = 0 : i64, tpu.core_type = #tpu.core_type<tc>, window_params = [{transform_indices = @transform_0, window_bounds = array<i64: 1024, 128>}, {transform_indices = @transform_1, window_bounds = array<i64: 1024, 128>}, {transform_indices = @transform_2, window_bounds = array<i64: 2, 1024, 128>}, {transform_indices = @transform_3, window_bounds = array<i64: 1024, 1>}, {pipeline_mode = #tpu.pipeline_mode<synchronous>, transform_indices = @transform_4, window_bounds = array<i64: 256, 256>}, {pipeline_mode = #tpu.pipeline_mode<synchronous>, transform_indices = @transform_5, window_bounds = array<i64: 1, 256>}, {pipeline_mode = #tpu.pipeline_mode<synchronous>, transform_indices = @transform_6, window_bounds = array<i64: 256, 256>}, {pipeline_mode = #tpu.pipeline_mode<synchronous>, transform_indices = @transform_7, window_bounds = array<i64: 1, 256>}, {transform_indices = @transform_8, window_bounds = array<i64: 1024, 256>}]} {
    %get3A = arith.constant 0 : index
    %get3A_0 = arith.constant 0 : index
    %get3A_1 = vector.load %arg4[%get3A, %get3A_0] : memref<1024x1xf32, #tpu.memory_space<vmem>>, vector<1024x1xf32>
    %get3A_2 = arith.constant 0 : index
    %get3A_3 = arith.constant 0 : index
    %get3A_4 = vector.load %arg1[%get3A_2, %get3A_3] : memref<1024x128xf32, #tpu.memory_space<vmem>>, vector<1024x128xf32>
    %get3A_5 = arith.constant 0 : index
    %get3A_6 = arith.constant 0 : index
    %get3A_7 = arith.constant 0 : index
    %get3A_8 = vector.load %arg3[%get3A_5, %get3A_6, %get3A_7] : memref<2x1024x128xf32, #tpu.memory_space<vmem>>, vector<1x1024x128xf32>
    %get3A_9 = vector.shape_cast %get3A_8 : vector<1x1024x128xf32> to vector<1024x128xf32>
    %add3A = arith.addf %get3A_4, %get3A_9 : vector<1024x128xf32>
    %mul3A = vector.broadcast %get3A_1 : vector<1024x1xf32> to vector<1024x128xf32>
    %mul3A_10 = arith.mulf %add3A, %mul3A : vector<1024x128xf32>
    %get3A_11 = arith.constant 0 : index
    %get3A_12 = arith.constant 0 : index
    %get3A_13 = vector.load %arg2[%get3A_11, %get3A_12] : memref<1024x128xf32, #tpu.memory_space<vmem>>, vector<1024x128xf32>
    %get3A_14 = arith.constant 1 : index
    %get3A_15 = arith.constant 0 : index
    %get3A_16 = arith.constant 0 : index
    %get3A_17 = vector.load %arg3[%get3A_14, %get3A_15, %get3A_16] : memref<2x1024x128xf32, #tpu.memory_space<vmem>>, vector<1x1024x128xf32>
    %get3A_18 = vector.shape_cast %get3A_17 : vector<1x1024x128xf32> to vector<1024x128xf32>
    %add3A_19 = arith.addf %get3A_13, %get3A_18 : vector<1024x128xf32>
    %mul3A_20 = vector.broadcast %get3A_1 : vector<1024x1xf32> to vector<1024x128xf32>
    %mul3A_21 = arith.mulf %add3A_19, %mul3A_20 : vector<1024x128xf32>
    %concatenate3A = tpu.concatenate %mul3A_10, %mul3A_21 in 1 : vector<1024x128xf32>, vector<1024x128xf32> -> vector<1024x256xf32>
    %get3A_22 = arith.constant 0 : index
    %get3A_23 = arith.constant 0 : index
    %get3A_24 = vector.load %arg5[%get3A_22, %get3A_23] : memref<256x256xf32, #tpu.memory_space<vmem>>, vector<256x256xf32>
    %dot_general3A = arith.constant dense<0.000000e+00> : vector<1024x256xf32>
    %dot_general3A_25 = tpu.matmul %concatenate3A, %get3A_24, %dot_general3A {dimension_numbers = #tpu.dot_dimension_numbers<[1], [0], [0], [1], [0, 0, 1, 1], [], []>, transpose_lhs_hint = false} : vector<1024x256xf32>, vector<256x256xf32>, vector<1024x256xf32> -> vector<1024x256xf32>
    %get3A_26 = arith.constant 0 : index
    %get3A_27 = arith.constant 0 : index
    %get3A_28 = vector.load %arg6[%get3A_26, %get3A_27] : memref<1x256xf32, #tpu.memory_space<vmem>>, vector<1x256xf32>
    %add3A_29 = vector.broadcast %get3A_28 : vector<1x256xf32> to vector<1024x256xf32>
    %add3A_30 = arith.addf %dot_general3A_25, %add3A_29 : vector<1024x256xf32>
    %max3A = arith.constant 0.000000e+00 : f32
    %max3A_31 = vector.broadcast %max3A : f32 to vector<1024x256xf32>
    %max3A_32 = arith.maximumf %add3A_30, %max3A_31 : vector<1024x256xf32>
    %get3A_33 = arith.constant 0 : index
    %get3A_34 = arith.constant 0 : index
    %get3A_35 = vector.load %arg7[%get3A_33, %get3A_34] : memref<256x256xf32, #tpu.memory_space<vmem>>, vector<256x256xf32>
    %dot_general3A_36 = arith.constant dense<0.000000e+00> : vector<1024x256xf32>
    %dot_general3A_37 = tpu.matmul %max3A_32, %get3A_35, %dot_general3A_36 {dimension_numbers = #tpu.dot_dimension_numbers<[1], [0], [0], [1], [0, 0, 1, 1], [], []>, transpose_lhs_hint = false} : vector<1024x256xf32>, vector<256x256xf32>, vector<1024x256xf32> -> vector<1024x256xf32>
    %get3A_38 = arith.constant 0 : index
    %get3A_39 = arith.constant 0 : index
    %get3A_40 = vector.load %arg8[%get3A_38, %get3A_39] : memref<1x256xf32, #tpu.memory_space<vmem>>, vector<1x256xf32>
    %add3A_41 = vector.broadcast %get3A_40 : vector<1x256xf32> to vector<1024x256xf32>
    %add3A_42 = arith.addf %dot_general3A_37, %add3A_41 : vector<1024x256xf32>
    %swap3A = arith.constant 0 : index
    %swap3A_43 = arith.constant 0 : index
    %swap3A_44 = vector.load %arg9[%swap3A, %swap3A_43] : memref<1024x256xf32, #tpu.memory_space<vmem>>, vector<1024x256xf32>
    tpu.vector_store %arg9[%swap3A, %swap3A_43], %add3A_42 {strides = array<i32>} : memref<1024x256xf32, #tpu.memory_space<vmem>>, vector<1024x256xf32>,
    return
  }
  func.func @transform_0(%arg0: i32) -> (i32, i32) {
    %c0_i32 = arith.constant 0 : i32
    %c0_i32_0 = arith.constant 0 : i32
    return %arg0, %c0_i32 : i32, i32
  }
  func.func @transform_1(%arg0: i32) -> (i32, i32) {
    %c0_i32 = arith.constant 0 : i32
    %c0_i32_0 = arith.constant 0 : i32
    return %arg0, %c0_i32 : i32, i32
  }
  func.func @transform_2(%arg0: i32) -> (i32, i32, i32) {
    %c0_i32 = arith.constant 0 : i32
    %c0_i32_0 = arith.constant 0 : i32
    %c0_i32_1 = arith.constant 0 : i32
    return %c0_i32, %arg0, %c0_i32_0 : i32, i32, i32
  }
  func.func @transform_3(%arg0: i32) -> (i32, i32) {
    %c0_i32 = arith.constant 0 : i32
    %c0_i32_0 = arith.constant 0 : i32
    return %arg0, %c0_i32 : i32, i32
  }
  func.func @transform_4(%arg0: i32) -> (i32, i32) {
    %c0_i32 = arith.constant 0 : i32
    %c0_i32_0 = arith.constant 0 : i32
    %c0_i32_1 = arith.constant 0 : i32
    return %c0_i32, %c0_i32_0 : i32, i32
  }
  func.func @transform_5(%arg0: i32) -> (i32, i32) {
    %c0_i32 = arith.constant 0 : i32
    %c0_i32_0 = arith.constant 0 : i32
    %c0_i32_1 = arith.constant 0 : i32
    return %c0_i32, %c0_i32_0 : i32, i32
  }
  func.func @transform_6(%arg0: i32) -> (i32, i32) {
    %c0_i32 = arith.constant 0 : i32
    %c0_i32_0 = arith.constant 0 : i32
    %c0_i32_1 = arith.constant 0 : i32
    return %c0_i32, %c0_i32_0 : i32, i32
  }
  func.func @transform_7(%arg0: i32) -> (i32, i32) {
    %c0_i32 = arith.constant 0 : i32
    %c0_i32_0 = arith.constant 0 : i32
    %c0_i32_1 = arith.constant 0 : i32
    return %c0_i32, %c0_i32_0 : i32, i32
  }
  func.func @transform_8(%arg0: i32) -> (i32, i32) {
    %c0_i32 = arith.constant 0 : i32
    %c0_i32_0 = arith.constant 0 : i32
    return %arg0, %c0_i32 : i32, i32
  }
}

</mosaic_0001>

<sc_bundles>
// kernel: kernel.6.cloned.1.call-start
scs
__scs_entry_jumppad:
0x0: {  	(pc) =	sbr.rel $0x88, $3  }
0x1: {  	(tag) =	ssettag $0x0;
	lr =	simm.s32 $0x1  }
0x2: {  	[smem:$0x3F9A] =	sst lr;
	_ =	strace $0xD0000000  }
0x3: {  	_ = 	snop  }
0x4: {  	_ = 	snop  }
0x5: {  	_ = 	snop  }
0x6: {  	_ = 	snop  }
0x7: {  	_ = 	snop  }
__scs_overlays_trampoline_lowered:
0x8: {  	[smem:$0x3FA9] =	sst s0  }
0x9: {  	[smem:$0x3FAA] =	sst s1  }
0xa: {  	[smem:$0x3FAB] =	sst s2  }
0xb: {  	[smem:$0x3FAC] =	sst s3  }
0xc: {  	[smem:$0x3FAD] =	sst s4  }
0xd: {  	[smem:$0x3FAE] =	sst s5  }
0xe: {  	[smem:$0x3FAF] =	sst s6  }
0xf: {  	[smem:$0x3FB0] =	sst s7  }
0x10: {  	[smem:$0x3FB1] =	sst s8  }
0x11: {  	[smem:$0x3FB2] =	sst s9;
	s0 =	simm.s32 @!p0 $0x0  }
0x12: {  	s1 =	sld [smem:$0x3F98];
	s0 =	simm.s32 @p0 $0x1  }
0x13: {  	[smem:$0x3FB3] =	sst s0;
	s0 =	simm.s32 @!p1 $0x0  }
0x14: {  	s2 =	sld [smem:$0x3F97];
	s0 =	simm.s32 @p1 $0x1  }
0x15: {  	[smem:$0x3FB4] =	sst s0;
	s0 =	simm.s32 @!p2 $0x0  }
0x16: {  	s3 =	sld [smem:$0x3FDB];
	s0 =	simm.s32 @p2 $0x1  }
0x17: {  	s4 =	simm.s32 $0x1BF5;
	[smem:$0x3FB6] =	sst s0  }
0x18: {  	s0 =	sld [smem:$0x3F99];
	_ =	swait.ge [sflag:s4], $0x0  }
0x19: {  	s7 =	sld [smem:$0x3F9A]  }
0x1a: {  	s8 =	sadd.s32 $0xFFFFE003, lr  }
0x1b: {  	s9 =	sadd.s32 $0xFFFFFEF7, lr;
	s5 =	simm.s32 $0xFFFFFFFF;
	p2 =	slt.u32 s8, $0xFFFFF086  }
0x1c: {  	p1 =	slt.u32 s9, $0xF7A;
	s5 =	simm.s32 @!p2 $0x0  }
0x1d: {  	s5 =	simm.s32 @p1 $0x1;
	p0 =	seq.s32 s7, s2  }
0x1e: {  	s7 =	smul.u32 @!p0 $0xF7A, s2;
	p2 =	seq.s32 @!p0 s5, $0x0  }
0x1f: {  	s9 =	smul.u32 $0xF7A, s1;
	s8 =	simm.s32 @!p0 $0x1BF5;
	p2 =	por !p2, p0  }
0x20: {  	[sflag:s8] =	ssyncset.s32 @!p0 $0xFFFFF086;
	s6 =	sadd.s32 @!p0 s3, s7;
	s7 =	simm.s32 @!p0 $0x108  }
0x21: {  	s3 =	sadd.s32 s3, s9;
	s6 =	sadd.s32 @!p0 $0x88, s6;
	s7 =	simm.s32 @p2 $0x1082  }
0x22: {  	[simem:s7], [sflag:s8] =	dma.local @!p0 [hbm:s6], $0xF7A  }
0x23: {  	s9 =	sor.u32 $0xD0000000, s2;
	s6 =	simm.s32 $0x108;
	_ =	swait.ge @!p0 [sflag:s8], $0x0  }
0x24: {  	s3 =	sadd.s32 $0x88, s3;
	s6 =	simm.s32 @!p1 $0x1082;
	[sflag:s4] =	ssyncset.s32 $0xFFFFF086  }
0x25: {  	[simem:s6], [sflag:s4] =	dma.local [hbm:s3], $0xF7A  }
0x26: {  	[smem:$0x3F9A] =	sst s1;
	(tag) =	ssettag s2;
	_ =	strace s9  }
0x27: {  	s1 =	sld [smem:$0x3FAA]  }
0x28: {  	s2 =	sld [smem:$0x3FAB]  }
0x29: {  	s4 =	sld [smem:$0x3FAD]  }
0x2a: {  	p0 =	seq.s32 s5, $0x0;
	s5 =	sld [smem:$0x3FAE]  }
0x2b: {  	s6 =	sld [smem:$0x3FAF]  }
0x2c: {  	s7 =	sld [smem:$0x3FB0]  }
0x2d: {  	s3 =	simm.s32 $0x108;
	s8 =	sld [smem:$0x3FB1]  }
0x2e: {  	s3 =	simm.s32 @!p0 $0x1082;
	s9 =	sld [smem:$0x3FB2]  }
0x2f: {  	lr =	sadd.s32 s0, s3;
	s0 =	sld [smem:$0x3FA9]  }
0x30: {  	s3 =	sld [smem:$0x3FAC]  }
0x31: {  	[smem:$0x3FB5] =	sst s10  }
0x32: {  	s10 =	sld [smem:$0x3FB3];
	_ =	sdelay $0x3  }
0x33: {  	p0 =	seq.s32 s10, $0x1;
	s10 =	sld [smem:$0x3FB5];
	_ =	sdelay $0x3  }
0x34: {  	[smem:$0x3FB5] =	sst s10  }
0x35: {  	s10 =	sld [smem:$0x3FB4];
	_ =	sdelay $0x3  }
0x36: {  	p1 =	seq.s32 s10, $0x1;
	s10 =	sld [smem:$0x3FB5];
	_ =	sdelay $0x3  }
0x37: {  	[smem:$0x3FB5] =	sst s10  }
0x38: {  	s10 =	sld [smem:$0x3FB6]  }
0x39: {  	_ = 	snop;
	(pc) =	sbr.ind lr, $3  }
0x3a: {  	_ = 	snop  }
0x3b: {  	_ = 	snop  }
0x3c: {  	p2 =	seq.s32 s10, $0x1;
	s10 =	sld [smem:$0x3FB5]  }
0x3d: {  	_ =	shalt  }
0x3e: {  	_ =	shalt  }
0x3f: {  	_ =	shalt  }
0x40: {  	_ =	shalt  }
0x41: {  	_ =	shalt  }
0x42: {  	_ =	shalt  }
0x43: {  	_ =	shalt  }
0x44: {  	_ =	shalt  }
0x45: {  	_ =	shalt  }
0x46: {  	_ =	shalt  }
0x47: {  	_ =	shalt  }
0x48: {  	_ =	shalt  }
0x49: {  	_ =	shalt  }
0x4a: {  	_ =	shalt  }
0x4b: {  	_ =	shalt  }
0x4c: {  	_ =	shalt  }
0x4d: {  	_ =	shalt  }
0x4e: {  	_ =	shalt  }
0x4f: {  	_ =	shalt  }
0x50: {  	_ =	shalt  }
0x51: {  	_ =	shalt  }
0x52: {  	_ =	shalt  }
0x53: {  	_ =	shalt  }
0x54: {  	_ =	shalt  }
0x55: {  	_ =	shalt  }
0x56: {  	_ =	shalt  }
0x57: {  	_ =	shalt  }
0x58: {  	_ =	shalt  }
0x59: {  	_ =	shalt  }
0x5a: {  	_ =	shalt  }
0x5b: {  	_ =	shalt  }
0x5c: {  	_ =	shalt  }
0x5d: {  	_ =	shalt  }
0x5e: {  	_ =	shalt  }
0x5f: {  	_ =	shalt  }
0x60: {  	_ =	shalt  }
0x61: {  	_ =	shalt  }
0x62: {  	_ =	shalt  }
0x63: {  	_ =	shalt  }
0x64: {  	_ =	shalt  }
0x65: {  	_ =	shalt  }
0x66: {  	_ =	shalt  }
0x67: {  	_ =	shalt  }
0x68: {  	_ =	shalt  }
0x69: {  	_ =	shalt  }
0x6a: {  	_ =	shalt  }
0x6b: {  	_ =	shalt  }
0x6c: {  	_ =	shalt  }
0x6d: {  	_ =	shalt  }
0x6e: {  	_ =	shalt  }
0x6f: {  	_ =	shalt  }
0x70: {  	_ =	shalt  }
0x71: {  	_ =	shalt  }
0x72: {  	_ =	shalt  }
0x73: {  	_ =	shalt  }
0x74: {  	_ =	shalt  }
0x75: {  	_ =	shalt  }
0x76: {  	_ =	shalt  }
0x77: {  	_ =	shalt  }
0x78: {  	_ =	shalt  }
0x79: {  	_ =	shalt  }
0x7a: {  	_ =	shalt  }
0x7b: {  	_ =	shalt  }
0x7c: {  	_ =	shalt  }
0x7d: {  	_ =	shalt  }
0x7e: {  	_ =	shalt  }
0x7f: {  	_ =	shalt  }
0x80: {  	_ =	shalt  }
0x81: {  	_ =	shalt  }
0x82: {  	_ =	shalt  }
0x83: {  	_ =	shalt  }
0x84: {  	_ =	shalt  }
0x85: {  	_ =	shalt  }
0x86: {  	_ =	shalt  }
0x87: {  	_ =	shalt  }
.Lfunc_end0:
.L_simem_size_0:
called_computation_lowered:
.L_overlay_start_0:
0x88: {  	s2 =	sld [smem:$0x3FD9]  }
0x89: {  	s3 =	sld [smem:$0x3FFE];
	_ =	sdelay $0x1  }
0x8a: {  	s1 =	srdreg.scid  }
0x8b: {  	s0 =	sand.u32 $0x1, s1  }
0x8c: {  	s17 =	sshll.u32 s0, $0xA;
	s2 =	sadd.s32 s3, s2  }
0x8d: {  	s2 =	sadd.s32 s2, s17  }
0x8e: {  	[smem:$0x3FC1] =	sst s2  }
0x8f: {  	_ = 	snop  }
0x90: {  	s2 =	sld [smem:$0x3FD0];
	(tm) =	ssettm $0x1  }
0x91: {  	s18 =	sld [smem:$0x3FFB];
	_ =	sdelay $0x3  }
0x92: {  	_ =	strace s18  }
0x93: {  	s3 =	sld [smem:$0x3FFC];
	_ =	sdelay $0x3  }
0x94: {  	_ =	strace s3  }
0x95: {  	s3 =	sld [smem:$0x3FFD];
	_ =	sdelay $0x3  }
0x96: {  	_ =	strace s3  }
0x97: {  	_ =	strace $0x8FFFFFFF  }
0x98: {  	s19 =	sld [smem:$0x3FDB];
	_ =	sdelay $0x1  }
0x99: {  	s4 =	simm.s32 $_scs_section_size  }
0x9a: {  	s5 =	simm.s32 $_size__tile_overlayer_lowered;
	s6 =	simm.s32 $_tile_overlayer_lowered  }
0x9b: {  	s22 =	simm.s32 $0x1BFF;
	s21 =	sshll.u32 s6, $0x1;
	s3 =	sadd.s32 s4, s19  }
0x9c: {  	s7 =	simm.s32 $0x0;
	s20 =	sshll.u32 s5, $0x1;
	s5 =	sadd.s32 s21, s3  }
0x9d: {  	[timem:s7], [sflag:s22] =	dma.local [hbm:s5], s20  }
0x9e: {  	_ =	swait.ge [sflag:s22], s20  }
0x9f: {  	s4 =	ssub.s32 $0x0, s20;
	[sflag:s22] =	ssyncset.done $0x0  }
0xa0: {  	[sflag:s22] =	ssyncadd.s32 s4;
	_ =	sdelay $0x1  }
0xa1: {  	s23 =	simm.s32 $0x1B8B  }
0xa2: {  	_ =	swait.ge [sflag:s23], $0x1  }
0xa3: {  	[sflag:s23] =	ssyncset.done $0x0  }
0xa4: {  	s25 =	simm.s32 $0x1B8E;
	s24 =	sld [smem:$0x3FFE];
	[sflag:s23] =	ssyncadd.s32 $0xFFFFFFFF  }
0xa5: {  	s26 =	simm.s32 $execute0_lowered;
	[smem:$0x3FD2] =	sst s25  }
0xa6: {  	s5 =	sshll.u32 s26, $0x1;
	_ =	strace $0x80000046;
	[dreg:$0x1] =	wrdreg $0xFFFFFFFF  }
0xa7: {  	s28 =	simm.s32 $_size_execute0_lowered;
	s3 =	sadd.s32 s3, s5;
	[dreg:$0x0] =	wrdreg $0x0  }
0xa8: {  	s5 =	sshll.u32 s28, $0x1;
	[dreg:$0x2] =	wrdreg s3  }
0xa9: {  	[dreg:$0x3] =	wrdreg s5  }
0xaa: {  	[dreg:$0x4] =	wrdreg $0xC0  }
0xab: {  	_ =	task [dreg:s7], $0x5FFFF  }
0xac: {  	[dreg:$0x1] =	wrdreg $0xFFFFFFFF  }
0xad: {  	[dreg:$0x0] =	wrdreg $0x60  }
0xae: {  	[dreg:$0x2] =	wrdreg s2  }
0xaf: {  	[dreg:$0x3] =	wrdreg s24  }
0xb0: {  	[dreg:$0x4] =	wrdreg $0x17000  }
0xb1: {  	[dreg:$0x5] =	wrdreg $0x9  }
0xb2: {  	_ =	task.clear_ibuf [dreg:s7], $0x6FFFF;
	_ =	strace $0x90000046  }
0xb3: {  	s29 =	simm.s32 $0x9;
	_ =	strace $0x80000048  }
0xb4: {  	_ =	swait.ge [sflag:s29], $0x1  }
0xb5: {  	[sflag:s29] =	ssyncadd.s32 $0xFFFFFFFF  }
0xb6: {  	_ =	strace $0x90000048  }
0xb7: {  	_ =	sfence  }
0xb8: {  	s30 =	sld [smem:$0x0];
	_ =	sdelay $0x2  }
0xb9: {  	s31 =	sshll.u32 s1, $0xD;
	s1 =	sshrl.u32 s1, $0x2  }
0xba: {  	s3 =	sand.u32 $0x4000, s31;
	s1 =	sadd.s32 s1, s30  }
0xbb: {  	s0 =	sor.u32 s3, s0;
	s1 =	sshll.u32 s1, $0x11  }
0xbc: {  	s0 =	sor.u32 s1, s0  }
0xbd: {  	s0 =	sadd.s32 $0x8F2B, s0  }
0xbe: {  	[sflag:s0] =	ssyncadd.remote.s32 $0x1  }
0xbf: {  	_ =	sfence.sel $0xFFFF  }
0xc0: {  	[dreg:$0x0] =	wrdreg $0xFFFFFFFF;
	(pc) =	sbr.abs _section_cstart, $3  }
0xc1: {  	[dreg:$0x1] =	wrdreg $0xFFFFFFFF  }
0xc2: {  	_ =	task.clear_ibuf [dreg:s7], $0x2FFFF;
	_ =	strace $0x9FFFFFFF  }
0xc3: {  	(tm) =	ssettm $0x7FFFFFFF  }
tec
execute0_lowered:
.L_overlay_start_1:
0x0: {  	(tag) =	ssettag $0x1  }
0x1: {  	s5 =	rddreg [dreg:$0x0]  }
0x2: {  	s4 =	rddreg [dreg:$0x1]  }
0x3: {  	s1 =	rddreg [dreg:$0x2]  }
0x4: {  	s0 =	rddreg [dreg:$0x3];
	s3 =	simm.s32 $0x0;
	s6 =	srdreg.scid  }
0x5: {  	s2 =	stileid.u32;
	s14 =	simm.s32 $0x20;
	s15 =	simm.s32 $0x10  }
0x6: {  	s16 =	simm.s32 $0x0;
	[smem:$0x7FF] =	sst s3;
	s8 =	smul.u32 $0xA00, s2  }
0x7: {  	s6 =	sand.u32 $0x1, s6;
	s7 =	sshll.u32 s2, $0x1;
	s12 =	smul.u32 $0xA0, s2  }
0x8: {  	s13 =	sshll.u32 s2, $0x6;
	_ =	strace $0x80000047;
	s10 =	ssub.s32 $0x2, s6  }
0x9: {  	s9 =	sshll.u32 s6, $0x4;
	s6 =	sor.u32 s6, s7;
	s31 =	sshrl.u32 s10, $0x1  }
0xa: {  	s8 =	sshrl.u32 s8, $0x2;
	s6 =	smul.u32 $0x280, s6;
	s9 =	sadd.s32 s9, s4  }
0xb: {  	s7 =	ssub.s32 s10, s31;
	s4 =	sadd.s32 s8, s1;
	s11 =	sadd.s32 $0x1800, s9  }
0xc: {  	s8 =	simm.s32 $0x1;
	s9 =	simm.s32 $0x80;
	s10 =	simm.s32 $0x1400  }
0xd: {  	s5 =	sadd.s32 s5, s6;
	s6 =	smax.u32 s7, $0x1;
	s7 =	simm.s32 $0x1480  }
0xe: {  	v0 =	vimm.f32 $0.0e+00;
	v1 =	vimm.f32 $1.000000000e+00;
	s11 =	sadd.s32 s12, s11;
	s12 =	sor.u32 $0x1C01, s13;
	s13 =	sshrl.u32 s4, $0x3  }
.LBB2_1:
0xf: {  	[tilespmem:$0x1480] =	vst v0  }
0x10: {  	[tilespmem:$0x1490] =	vst v0  }
0x11: {  	[tilespmem:$0x14A0] =	vst v0  }
0x12: {  	[tilespmem:$0x14B0] =	vst v0  }
0x13: {  	[tilespmem:$0x14C0] =	vst v0  }
0x14: {  	[tilespmem:$0x14D0] =	vst v0  }
0x15: {  	[tilespmem:$0x14E0] =	vst v0  }
0x16: {  	[tilespmem:$0x14F0] =	vst v0  }
0x17: {  	[tilespmem:$0x1500] =	vst v0  }
0x18: {  	[tilespmem:$0x1510] =	vst v0  }
0x19: {  	[tilespmem:$0x1520] =	vst v0  }
0x1a: {  	[tilespmem:$0x1530] =	vst v0  }
0x1b: {  	[tilespmem:$0x1540] =	vst v0  }
0x1c: {  	[tilespmem:$0x1550] =	vst v0  }
0x1d: {  	[tilespmem:$0x1560] =	vst v0  }
0x1e: {  	[tilespmem:$0x1570] =	vst v0  }
0x1f: {  	[tilespmem:$0x1580] =	vst v0  }
0x20: {  	[tilespmem:$0x1590] =	vst v0  }
0x21: {  	[tilespmem:$0x15A0] =	vst v0  }
0x22: {  	[tilespmem:$0x15B0] =	vst v0  }
0x23: {  	[tilespmem:$0x15C0] =	vst v0  }
0x24: {  	[tilespmem:$0x15D0] =	vst v0  }
0x25: {  	[tilespmem:$0x15E0] =	vst v0  }
0x26: {  	[tilespmem:$0x15F0] =	vst v0  }
0x27: {  	[tilespmem:$0x1600] =	vst v0  }
0x28: {  	[tilespmem:$0x1610] =	vst v0  }
0x29: {  	[tilespmem:$0x1620] =	vst v0  }
0x2a: {  	[tilespmem:$0x1630] =	vst v0  }
0x2b: {  	[tilespmem:$0x1640] =	vst v0  }
0x2c: {  	[tilespmem:$0x1650] =	vst v0  }
0x2d: {  	[tilespmem:$0x1660] =	vst v0  }
0x2e: {  	[tilespmem:$0x1670] =	vst v0  }
0x2f: {  	[tilespmem:$0x1680] =	vst v0  }
0x30: {  	[tilespmem:$0x1690] =	vst v0  }
0x31: {  	[tilespmem:$0x16A0] =	vst v0  }
0x32: {  	[tilespmem:$0x16B0] =	vst v0  }
0x33: {  	[tilespmem:$0x16C0] =	vst v0  }
0x34: {  	[tilespmem:$0x16D0] =	vst v0  }
0x35: {  	[tilespmem:$0x16E0] =	vst v0  }
0x36: {  	[tilespmem:$0x16F0] =	vst v0  }
0x37: {  	[tilespmem:$0x1400] =	vst v1  }
0x38: {  	[tilespmem:$0x1410] =	vst v1  }
0x39: {  	[tilespmem:$0x1420] =	vst v1  }
0x3a: {  	[tilespmem:$0x1430] =	vst v1  }
0x3b: {  	[tilespmem:$0x1440] =	vst v1  }
0x3c: {  	[tilespmem:$0x1450] =	vst v1  }
0x3d: {  	[tilespmem:$0x1460] =	vst v1  }
0x3e: {  	[tilespmem:$0x1470] =	vst v1  }
0x3f: {  	[spmem:s4] =	stream.linear.scatter [tilespmem:s7], [sflag:$0x1], $0x280, $0x38;
	[tilespmem:$0x1980] =	vst v63  }
0x40: {  	_ =	swait.ge [sflag:s8], $0x280  }
0x41: {  	[sflag:s8] =	ssyncset.done $0x0  }
0x42: {  	[sflag:s8] =	ssyncadd.s32 $0xFFFFFD80  }
0x43: {  	[bflag:$0x0] =	sbarrier.arrive $0xFFFF  }
0x44: {  	[tilespmem:s3], [sflag:$0x1] =	stream.linear.gather [hbm4b:s5+s3], $0x1400, $0x38;
	[tilespmem:$0x1980] =	vst v63  }
0x45: {  	_ =	swait.ge [sflag:s8], $0x1400  }
0x46: {  	[sflag:s8] =	ssyncset.done $0x0  }
0x47: {  	s17 =	simm.s32 $0x0;
	[sflag:s8] =	ssyncadd.s32 $0xFFFFEC00  }
0x48: {  	[spmem:s1] =	stream.indirect.scatter.add.f32 [tilespmem:s10], [sflag:$0x1], $0x1, s17, s9, $0xb8;
	[tilespmem:$0x1980] =	vst v63  }
0x49: {  	_ =	swait.ge [sflag:s8], $0x80  }
0x4a: {  	s17 =	simm.s32 $0x200;
	[sflag:s8] =	ssyncset.done $0x0  }
.LBB2_2:
0x4b: {  	s18 =	sshra.s32 s17, $0x2;
	[sflag:s8] =	ssyncadd.s32 $0xFFFFFF80;
	p0 =	sne.s32 s17, $0x4E00  }
0x4c: {  	[spmem:s1] =	stream.indirect.scatter.add.f32 [tilespmem:s10], [sflag:$0x1], $0x1, s18, s9, $0xb8;
	[tilespmem:$0x1980] =	vst v63  }
.Ltmp0:
0x4d: {  	_ = 	snop;
	(pc) =	sbr.rel @p0 .LBB2_2-.Ltmp0, $4  }
0x4e: {  	_ = 	snop  }
0x4f: {  	s17 =	sadd.s32 $0x200, s17  }
0x50: {  	_ =	swait.ge [sflag:s8], $0x80  }
0x51: {  	[sflag:s8] =	ssyncset.done $0x0  }
0x52: {  	s16 =	sadd.s32 $0x1, s16  }
0x53: {  	[sflag:s8] =	ssyncadd.s32 $0xFFFFFF80;
	p0 =	sne.s32 s16, s6  }
.Ltmp1:
0x54: {  	[bflag:$0x0] =	sbarrier.arrive $0xFFFF;
	(pc) =	sbr.rel @p0 .LBB2_1-.Ltmp1, $4  }
0x55: {  	[hbm:s11@s14], [sflag:s12] =	dma.strided [spmem:s13@s15], $0x50, s8, $0x10   }
0x56: {  	_ =	swait.ge [sflag:s8], $0x50  }
0x57: {  	[sflag:s8] =	ssyncset.done $0x0  }
0x58: {  	[sflag:s8] =	ssyncadd.s32 $0xFFFFFFB0  }
0x59: {  	_ =	sfence.sel $0x180000  }
0x5a: {  	[bflag:$0x0] =	sbarrier.arrive $0xFFFF  }
0x5b: {  	p0 =	sne.s32 s2, $0x0;
	_ =	strace $0x90000047  }
0x5c: {  	s0 =	sadd.s32 @!p0 $0x100000, s0;
	[bflag:$0x2] =	sbarrier.arrive $0xFFFF  }
0x5d: {  	[sflag:s0] =	ssyncadd.tile.s32 @!p0 $0x1;
	_ =	shalt  }
.Lfunc_end2:
_tile_overlayer_lowered:
.L_overlay_start_2:
0x5e: {  	(tag) =	ssettag $0x2  }
0x5f: {  	s0 =	rddreg [dreg:$0x0];
	s2 =	stileid.u32  }
0x60: {  	s1 =	rddreg [dreg:$0x1];
	p0 =	sne.s32 s2, $0x0  }
0x61: {  	s3 =	rddreg [dreg:$0x2];
	[bflag:$0x3] =	sbarrier.arrive $0xFFFF;
	s2 =	simm.s32 @!p0 $0x1C01  }
0x62: {  	[timem:s3], [sflag:s2] =	dma.local @!p0 [hbm:s0], s1  }
0x63: {  	s0 =	simm.s32 @!p0 $0x1  }
0x64: {  	_ =	swait.ge @!p0 [sflag:s0], s1  }
0x65: {  	s1 =	ssub.s32 @!p0 $0x0, s1;
	[sflag:s0] =	ssyncset.done @!p0 $0x0  }
0x66: {  	[sflag:s0] =	ssyncadd.s32 @!p0 s1  }
0x67: {  	[bflag:$0x3] =	sbarrier.arrive $0xFFFF  }
0x68: {  	_ =	shalt  }

// kernel: kernel.9.cloned.1.call-start
scs
__scs_entry_jumppad:
0x0: {  	(pc) =	sbr.rel $0x88, $3  }
0x1: {  	(tag) =	ssettag $0x0;
	lr =	simm.s32 $0x1  }
0x2: {  	[smem:$0x3F9A] =	sst lr;
	_ =	strace $0xD0000000  }
0x3: {  	_ = 	snop  }
0x4: {  	_ = 	snop  }
0x5: {  	_ = 	snop  }
0x6: {  	_ = 	snop  }
0x7: {  	_ = 	snop  }
__scs_overlays_trampoline_lowered:
0x8: {  	[smem:$0x3FA9] =	sst s0  }
0x9: {  	[smem:$0x3FAA] =	sst s1  }
0xa: {  	[smem:$0x3FAB] =	sst s2  }
0xb: {  	[smem:$0x3FAC] =	sst s3  }
0xc: {  	[smem:$0x3FAD] =	sst s4  }
0xd: {  	[smem:$0x3FAE] =	sst s5  }
0xe: {  	[smem:$0x3FAF] =	sst s6  }
0xf: {  	[smem:$0x3FB0] =	sst s7  }
0x10: {  	[smem:$0x3FB1] =	sst s8  }
0x11: {  	[smem:$0x3FB2] =	sst s9;
	s0 =	simm.s32 @!p0 $0x0  }
0x12: {  	s1 =	sld [smem:$0x3F98];
	s0 =	simm.s32 @p0 $0x1  }
0x13: {  	[smem:$0x3FB3] =	sst s0;
	s0 =	simm.s32 @!p1 $0x0  }
0x14: {  	s2 =	sld [smem:$0x3F97];
	s0 =	simm.s32 @p1 $0x1  }
0x15: {  	[smem:$0x3FB4] =	sst s0;
	s0 =	simm.s32 @!p2 $0x0  }
0x16: {  	s3 =	sld [smem:$0x3FDB];
	s0 =	simm.s32 @p2 $0x1  }
0x17: {  	s4 =	simm.s32 $0x1BF5;
	[smem:$0x3FB6] =	sst s0  }
0x18: {  	s0 =	sld [smem:$0x3F99];
	_ =	swait.ge [sflag:s4], $0x0  }
0x19: {  	s7 =	sld [smem:$0x3F9A]  }
0x1a: {  	s8 =	sadd.s32 $0xFFFFE003, lr  }
0x1b: {  	s9 =	sadd.s32 $0xFFFFFEF7, lr;
	s5 =	simm.s32 $0xFFFFFFFF;
	p2 =	slt.u32 s8, $0xFFFFF086  }
0x1c: {  	p1 =	slt.u32 s9, $0xF7A;
	s5 =	simm.s32 @!p2 $0x0  }
0x1d: {  	s5 =	simm.s32 @p1 $0x1;
	p0 =	seq.s32 s7, s2  }
0x1e: {  	s7 =	smul.u32 @!p0 $0xF7A, s2;
	p2 =	seq.s32 @!p0 s5, $0x0  }
0x1f: {  	s9 =	smul.u32 $0xF7A, s1;
	s8 =	simm.s32 @!p0 $0x1BF5;
	p2 =	por !p2, p0  }
0x20: {  	[sflag:s8] =	ssyncset.s32 @!p0 $0xFFFFF086;
	s6 =	sadd.s32 @!p0 s3, s7;
	s7 =	simm.s32 @!p0 $0x108  }
0x21: {  	s3 =	sadd.s32 s3, s9;
	s6 =	sadd.s32 @!p0 $0x88, s6;
	s7 =	simm.s32 @p2 $0x1082  }
0x22: {  	[simem:s7], [sflag:s8] =	dma.local @!p0 [hbm:s6], $0xF7A  }
0x23: {  	s9 =	sor.u32 $0xD0000000, s2;
	s6 =	simm.s32 $0x108;
	_ =	swait.ge @!p0 [sflag:s8], $0x0  }
0x24: {  	s3 =	sadd.s32 $0x88, s3;
	s6 =	simm.s32 @!p1 $0x1082;
	[sflag:s4] =	ssyncset.s32 $0xFFFFF086  }
0x25: {  	[simem:s6], [sflag:s4] =	dma.local [hbm:s3], $0xF7A  }
0x26: {  	[smem:$0x3F9A] =	sst s1;
	(tag) =	ssettag s2;
	_ =	strace s9  }
0x27: {  	s1 =	sld [smem:$0x3FAA]  }
0x28: {  	s2 =	sld [smem:$0x3FAB]  }
0x29: {  	s4 =	sld [smem:$0x3FAD]  }
0x2a: {  	p0 =	seq.s32 s5, $0x0;
	s5 =	sld [smem:$0x3FAE]  }
0x2b: {  	s6 =	sld [smem:$0x3FAF]  }
0x2c: {  	s7 =	sld [smem:$0x3FB0]  }
0x2d: {  	s3 =	simm.s32 $0x108;
	s8 =	sld [smem:$0x3FB1]  }
0x2e: {  	s3 =	simm.s32 @!p0 $0x1082;
	s9 =	sld [smem:$0x3FB2]  }
0x2f: {  	lr =	sadd.s32 s0, s3;
	s0 =	sld [smem:$0x3FA9]  }
0x30: {  	s3 =	sld [smem:$0x3FAC]  }
0x31: {  	[smem:$0x3FB5] =	sst s10  }
0x32: {  	s10 =	sld [smem:$0x3FB3];
	_ =	sdelay $0x3  }
0x33: {  	p0 =	seq.s32 s10, $0x1;
	s10 =	sld [smem:$0x3FB5];
	_ =	sdelay $0x3  }
0x34: {  	[smem:$0x3FB5] =	sst s10  }
0x35: {  	s10 =	sld [smem:$0x3FB4];
	_ =	sdelay $0x3  }
0x36: {  	p1 =	seq.s32 s10, $0x1;
	s10 =	sld [smem:$0x3FB5];
	_ =	sdelay $0x3  }
0x37: {  	[smem:$0x3FB5] =	sst s10  }
0x38: {  	s10 =	sld [smem:$0x3FB6]  }
0x39: {  	_ = 	snop;
	(pc) =	sbr.ind lr, $3  }
0x3a: {  	_ = 	snop  }
0x3b: {  	_ = 	snop  }
0x3c: {  	p2 =	seq.s32 s10, $0x1;
	s10 =	sld [smem:$0x3FB5]  }
0x3d: {  	_ =	shalt  }
0x3e: {  	_ =	shalt  }
0x3f: {  	_ =	shalt  }
0x40: {  	_ =	shalt  }
0x41: {  	_ =	shalt  }
0x42: {  	_ =	shalt  }
0x43: {  	_ =	shalt  }
0x44: {  	_ =	shalt  }
0x45: {  	_ =	shalt  }
0x46: {  	_ =	shalt  }
0x47: {  	_ =	shalt  }
0x48: {  	_ =	shalt  }
0x49: {  	_ =	shalt  }
0x4a: {  	_ =	shalt  }
0x4b: {  	_ =	shalt  }
0x4c: {  	_ =	shalt  }
0x4d: {  	_ =	shalt  }
0x4e: {  	_ =	shalt  }
0x4f: {  	_ =	shalt  }
0x50: {  	_ =	shalt  }
0x51: {  	_ =	shalt  }
0x52: {  	_ =	shalt  }
0x53: {  	_ =	shalt  }
0x54: {  	_ =	shalt  }
0x55: {  	_ =	shalt  }
0x56: {  	_ =	shalt  }
0x57: {  	_ =	shalt  }
0x58: {  	_ =	shalt  }
0x59: {  	_ =	shalt  }
0x5a: {  	_ =	shalt  }
0x5b: {  	_ =	shalt  }
0x5c: {  	_ =	shalt  }
0x5d: {  	_ =	shalt  }
0x5e: {  	_ =	shalt  }
0x5f: {  	_ =	shalt  }
0x60: {  	_ =	shalt  }
0x61: {  	_ =	shalt  }
0x62: {  	_ =	shalt  }
0x63: {  	_ =	shalt  }
0x64: {  	_ =	shalt  }
0x65: {  	_ =	shalt  }
0x66: {  	_ =	shalt  }
0x67: {  	_ =	shalt  }
0x68: {  	_ =	shalt  }
0x69: {  	_ =	shalt  }
0x6a: {  	_ =	shalt  }
0x6b: {  	_ =	shalt  }
0x6c: {  	_ =	shalt  }
0x6d: {  	_ =	shalt  }
0x6e: {  	_ =	shalt  }
0x6f: {  	_ =	shalt  }
0x70: {  	_ =	shalt  }
0x71: {  	_ =	shalt  }
0x72: {  	_ =	shalt  }
0x73: {  	_ =	shalt  }
0x74: {  	_ =	shalt  }
0x75: {  	_ =	shalt  }
0x76: {  	_ =	shalt  }
0x77: {  	_ =	shalt  }
0x78: {  	_ =	shalt  }
0x79: {  	_ =	shalt  }
0x7a: {  	_ =	shalt  }
0x7b: {  	_ =	shalt  }
0x7c: {  	_ =	shalt  }
0x7d: {  	_ =	shalt  }
0x7e: {  	_ =	shalt  }
0x7f: {  	_ =	shalt  }
0x80: {  	_ =	shalt  }
0x81: {  	_ =	shalt  }
0x82: {  	_ =	shalt  }
0x83: {  	_ =	shalt  }
0x84: {  	_ =	shalt  }
0x85: {  	_ =	shalt  }
0x86: {  	_ =	shalt  }
0x87: {  	_ =	shalt  }
.Lfunc_end0:
.L_simem_size_0:
called_computation.1_lowered:
.L_overlay_start_0:
0x88: {  	s2 =	sld [smem:$0x3FD9]  }
0x89: {  	s3 =	sld [smem:$0x3FFE];
	_ =	sdelay $0x1  }
0x8a: {  	s1 =	srdreg.scid  }
0x8b: {  	s0 =	sand.u32 $0x1, s1  }
0x8c: {  	s17 =	sshll.u32 s0, $0xA;
	s2 =	sadd.s32 s3, s2  }
0x8d: {  	s2 =	sadd.s32 s2, s17  }
0x8e: {  	[smem:$0x3FC1] =	sst s2  }
0x8f: {  	_ = 	snop  }
0x90: {  	s2 =	sld [smem:$0x3FD0];
	(tm) =	ssettm $0x1  }
0x91: {  	s18 =	sld [smem:$0x3FFB];
	_ =	sdelay $0x3  }
0x92: {  	_ =	strace s18  }
0x93: {  	s3 =	sld [smem:$0x3FFC];
	_ =	sdelay $0x3  }
0x94: {  	_ =	strace s3  }
0x95: {  	s3 =	sld [smem:$0x3FFD];
	_ =	sdelay $0x3  }
0x96: {  	_ =	strace s3  }
0x97: {  	_ =	strace $0x8FFFFFFF  }
0x98: {  	s19 =	sld [smem:$0x3FDB];
	_ =	sdelay $0x1  }
0x99: {  	s4 =	simm.s32 $_scs_section_size  }
0x9a: {  	s5 =	simm.s32 $_size__tile_overlayer_lowered;
	s6 =	simm.s32 $_tile_overlayer_lowered  }
0x9b: {  	s22 =	simm.s32 $0x1BFF;
	s21 =	sshll.u32 s6, $0x1;
	s3 =	sadd.s32 s4, s19  }
0x9c: {  	s7 =	simm.s32 $0x0;
	s20 =	sshll.u32 s5, $0x1;
	s5 =	sadd.s32 s21, s3  }
0x9d: {  	[timem:s7], [sflag:s22] =	dma.local [hbm:s5], s20  }
0x9e: {  	_ =	swait.ge [sflag:s22], s20  }
0x9f: {  	s4 =	ssub.s32 $0x0, s20;
	[sflag:s22] =	ssyncset.done $0x0  }
0xa0: {  	[sflag:s22] =	ssyncadd.s32 s4;
	_ =	sdelay $0x1  }
0xa1: {  	s23 =	simm.s32 $0x1B8B  }
0xa2: {  	_ =	swait.ge [sflag:s23], $0x1  }
0xa3: {  	[sflag:s23] =	ssyncset.done $0x0  }
0xa4: {  	s25 =	simm.s32 $0x1B8E;
	s24 =	sld [smem:$0x3FFE];
	[sflag:s23] =	ssyncadd.s32 $0xFFFFFFFF  }
0xa5: {  	s26 =	simm.s32 $execute0_lowered;
	[smem:$0x3FD2] =	sst s25  }
0xa6: {  	s5 =	sshll.u32 s26, $0x1;
	_ =	strace $0x80000049;
	[dreg:$0x1] =	wrdreg $0xFFFFFFFF  }
0xa7: {  	s28 =	simm.s32 $_size_execute0_lowered;
	s3 =	sadd.s32 s3, s5;
	[dreg:$0x0] =	wrdreg $0x0  }
0xa8: {  	s5 =	sshll.u32 s28, $0x1;
	[dreg:$0x2] =	wrdreg s3  }
0xa9: {  	[dreg:$0x3] =	wrdreg s5  }
0xaa: {  	[dreg:$0x4] =	wrdreg $0xC0  }
0xab: {  	_ =	task [dreg:s7], $0x5FFFF  }
0xac: {  	[dreg:$0x1] =	wrdreg $0xFFFFFFFF  }
0xad: {  	[dreg:$0x0] =	wrdreg $0x60  }
0xae: {  	[dreg:$0x2] =	wrdreg s2  }
0xaf: {  	[dreg:$0x3] =	wrdreg s24  }
0xb0: {  	[dreg:$0x4] =	wrdreg $0xA8000  }
0xb1: {  	[dreg:$0x5] =	wrdreg $0x9  }
0xb2: {  	_ =	task.clear_ibuf [dreg:s7], $0x6FFFF;
	_ =	strace $0x90000049  }
0xb3: {  	s29 =	simm.s32 $0x9;
	_ =	strace $0x8000004B  }
0xb4: {  	_ =	swait.ge [sflag:s29], $0x1  }
0xb5: {  	[sflag:s29] =	ssyncadd.s32 $0xFFFFFFFF  }
0xb6: {  	_ =	strace $0x9000004B  }
0xb7: {  	_ =	sfence  }
0xb8: {  	s30 =	sld [smem:$0x0];
	_ =	sdelay $0x2  }
0xb9: {  	s31 =	sshll.u32 s1, $0xD;
	s1 =	sshrl.u32 s1, $0x2  }
0xba: {  	s3 =	sand.u32 $0x4000, s31;
	s1 =	sadd.s32 s1, s30  }
0xbb: {  	s0 =	sor.u32 s3, s0;
	s1 =	sshll.u32 s1, $0x11  }
0xbc: {  	s0 =	sor.u32 s1, s0  }
0xbd: {  	s0 =	sadd.s32 $0x8F2B, s0  }
0xbe: {  	[sflag:s0] =	ssyncadd.remote.s32 $0x1  }
0xbf: {  	_ =	sfence.sel $0xFFFF  }
0xc0: {  	[dreg:$0x0] =	wrdreg $0xFFFFFFFF;
	(pc) =	sbr.abs _section_cstart, $3  }
0xc1: {  	[dreg:$0x1] =	wrdreg $0xFFFFFFFF  }
0xc2: {  	_ =	task.clear_ibuf [dreg:s7], $0x2FFFF;
	_ =	strace $0x9FFFFFFF  }
0xc3: {  	(tm) =	ssettm $0x7FFFFFFF  }
tec
execute0_lowered:
.L_overlay_start_1:
0x0: {  	(tag) =	ssettag $0x1  }
0x1: {  	s2 =	rddreg [dreg:$0x0]  }
0x2: {  	s0 =	rddreg [dreg:$0x1]  }
0x3: {  	s3 =	rddreg [dreg:$0x2]  }
0x4: {  	s12 =	stileid.u32;
	s1 =	srdreg.scid  }
0x5: {  	s4 =	simm.s32 $0x0;
	s19 =	simm.s32 $0x2800;
	s20 =	simm.s32 $0x3  }
0x6: {  	s21 =	simm.s32 $0x1400;
	s28 =	simm.s32 $0x2;
	s6 =	smul.u32 $0xA00, s12  }
0x7: {  	s29 =	simm.s32 $0x1300;
	s30 =	simm.s32 $0x1380;
	s9 =	smul.u32 $0x50000, s12  }
0x8: {  	s31 =	simm.s32 $0x0;
	s1 =	sand.u32 $0x1, s1;
	s24 =	smul.u32 $0x2800, s12  }
0x9: {  	[smem:$0x7FF] =	sst s4;
	s5 =	sadd.s32 $0x16200, s0;
	s7 =	smul.u32 $0x28000, s1  }
0xa: {  	_ =	strace $0x8000004A;
	s8 =	ssub.s32 $0x2, s1;
	p0 =	seq.s32 s1, $0x1  }
0xb: {  	s10 =	sadd.s32 s6, s0;
	s22 =	sshrl.u32 s8, $0x1;
	s23 =	sshrl.u32 s9, $0x2  }
0xc: {  	s0 =	sadd.s32 s7, s0;
	s11 =	ssub.s32 s8, s22;
	s6 =	sadd.s32 s23, s3  }
0xd: {  	s7 =	sadd.s32 $0x2200, s10;
	s8 =	sadd.s32 $0xC200, s10;
	s22 =	simm.s32 $0x40  }
0xe: {  	s23 =	simm.s32 $0x1480;
	s0 =	sadd.s32 $0x3E200, s0;
	s25 =	smax.u32 s11, $0x1  }
.Ltmp0:
0xf: {  	s26 =	sadd.s32 $0x2000, s6;
	s11 =	sadd.s32 $0x4000, s6;
	(pc) =	sbr.rel .LBB2_1-.Ltmp0, $4  }
0x10: {  	s12 =	sadd.s32 $0x6000, s6;
	s13 =	sadd.s32 $0x8000, s6;
	s14 =	sadd.s32 $0xA000, s6  }
0x11: {  	s15 =	sadd.s32 $0xC000, s6;
	s16 =	sadd.s32 $0xE000, s6;
	[dreg:$0x4] =	wrdreg s25  }
0x12: {  	s17 =	sadd.s32 $0x10000, s6;
	s18 =	sadd.s32 $0x12000, s6;
	[dreg:$0x5] =	wrdreg s26  }
0x13: {  	v0 =	vimm.f32 $0.0e+00;
	s24 =	sadd.s32 s24, s0;
	s25 =	simm.s32 $0x4800;
	s26 =	simm.s32 $0x1  }
.LBB2_10:
0x14: {  	s0 =	stileid.u32  }
0x15: {  	s0 =	sshll.u32 s0, $0x6  }
0x16: {  	[bflag:$0x0] =	sbarrier.arrive $0xFFFF;
	s1 =	sshrl.u32 s6, $0x3;
	s0 =	sor.u32 $0x1C03, s0  }
0x17: {  	[hbm:s24], [sflag:s0] =	dma.local [spmem:s1], $0x2800  }
0x18: {  	_ =	swait.ge [sflag:s20], $0x2800  }
0x19: {  	s4 =	sadd.s32 $0x1, s4;
	s10 =	rddreg [dreg:$0x4]  }
0x1a: {  	p1 =	sne.s32 s4, s10  }
.Ltmp1:
0x1b: {  	_ = 	snop;
	(pc) =	sbr.rel @!p1 .LBB2_11-.Ltmp1, $3  }
0x1c: {  	_ =	sdelay $0x1  }
0x1d: {  	[sflag:s20] =	ssyncset.done $0x0  }
0x1e: {  	[sflag:s20] =	ssyncadd.s32 $0xFFFFD800  }
.LBB2_1:
0x1f: {  	s0 =	simm.s32 $0x0;
	s1 =	simm.s32 $0x200  }
.LBB2_2:
0x20: {  	p1 =	sne.s32 s1, $0x7E00;
	[tilespmem:s0+$0x2870] =	vst v0  }
0x21: {  	[tilespmem:s0+$0x2800] =	vst v0  }
0x22: {  	[tilespmem:s0+$0x2810] =	vst v0  }
.Ltmp2:
0x23: {  	[tilespmem:s0+$0x2820] =	vst v0;
	(pc) =	sbr.rel @p1 .LBB2_2-.Ltmp2, $4  }
0x24: {  	[tilespmem:s0+$0x2830] =	vst v0  }
0x25: {  	[tilespmem:s0+$0x2840] =	vst v0  }
0x26: {  	[tilespmem:s0+$0x2850] =	vst v0  }
0x27: {  	[tilespmem:s0+$0x2860] =	vst v0;
	s0 =	sshra.s32 s1, $0x2;
	s1 =	sadd.s32 $0x200, s1  }
0x28: {  	[tilespmem:s0+$0x2870] =	vst v0  }
0x29: {  	[tilespmem:s0+$0x2800] =	vst v0  }
0x2a: {  	[tilespmem:s0+$0x2810] =	vst v0  }
0x2b: {  	[tilespmem:s0+$0x2820] =	vst v0  }
0x2c: {  	[tilespmem:s0+$0x2830] =	vst v0  }
0x2d: {  	[tilespmem:s0+$0x2840] =	vst v0  }
0x2e: {  	[tilespmem:s0+$0x2850] =	vst v0  }
0x2f: {  	[tilespmem:s0+$0x2860] =	vst v0  }
0x30: {  	[spmem:s6] =	stream.linear.scatter [tilespmem:s19], [sflag:$0x3], $0x2000, $0x38;
	[tilespmem:$0x1E800] =	vst v63  }
0x31: {  	_ =	swait.ge [sflag:s20], $0x2000  }
0x32: {  	[sflag:s20] =	ssyncset.done $0x0  }
0x33: {  	s10 =	rddreg [dreg:$0x5];
	[sflag:s20] =	ssyncadd.s32 $0xFFFFE000  }
0x34: {  	[spmem:s10] =	stream.linear.scatter [tilespmem:s19], [sflag:$0x3], $0x2000, $0x38;
	[tilespmem:$0x1E800] =	vst v63  }
0x35: {  	_ =	swait.ge [sflag:s20], $0x2000  }
0x36: {  	[sflag:s20] =	ssyncset.done $0x0  }
0x37: {  	[sflag:s20] =	ssyncadd.s32 $0xFFFFE000  }
0x38: {  	[spmem:s11] =	stream.linear.scatter [tilespmem:s19], [sflag:$0x3], $0x2000, $0x38;
	[tilespmem:$0x1E800] =	vst v63  }
0x39: {  	_ =	swait.ge [sflag:s20], $0x2000  }
0x3a: {  	[sflag:s20] =	ssyncset.done $0x0  }
0x3b: {  	[sflag:s20] =	ssyncadd.s32 $0xFFFFE000  }
0x3c: {  	[spmem:s12] =	stream.linear.scatter [tilespmem:s19], [sflag:$0x3], $0x2000, $0x38;
	[tilespmem:$0x1E800] =	vst v63  }
0x3d: {  	_ =	swait.ge [sflag:s20], $0x2000  }
0x3e: {  	[sflag:s20] =	ssyncset.done $0x0  }
0x3f: {  	[sflag:s20] =	ssyncadd.s32 $0xFFFFE000  }
0x40: {  	[spmem:s13] =	stream.linear.scatter [tilespmem:s19], [sflag:$0x3], $0x2000, $0x38;
	[tilespmem:$0x1E800] =	vst v63  }
0x41: {  	_ =	swait.ge [sflag:s20], $0x2000  }
0x42: {  	[sflag:s20] =	ssyncset.done $0x0  }
0x43: {  	[sflag:s20] =	ssyncadd.s32 $0xFFFFE000  }
0x44: {  	[spmem:s14] =	stream.linear.scatter [tilespmem:s19], [sflag:$0x3], $0x2000, $0x38;
	[tilespmem:$0x1E800] =	vst v63  }
0x45: {  	_ =	swait.ge [sflag:s20], $0x2000  }
0x46: {  	[sflag:s20] =	ssyncset.done $0x0  }
0x47: {  	[sflag:s20] =	ssyncadd.s32 $0xFFFFE000  }
0x48: {  	[spmem:s15] =	stream.linear.scatter [tilespmem:s19], [sflag:$0x3], $0x2000, $0x38;
	[tilespmem:$0x1E800] =	vst v63  }
0x49: {  	_ =	swait.ge [sflag:s20], $0x2000  }
0x4a: {  	[sflag:s20] =	ssyncset.done $0x0  }
0x4b: {  	[sflag:s20] =	ssyncadd.s32 $0xFFFFE000  }
0x4c: {  	[spmem:s16] =	stream.linear.scatter [tilespmem:s19], [sflag:$0x3], $0x2000, $0x38;
	[tilespmem:$0x1E800] =	vst v63  }
0x4d: {  	_ =	swait.ge [sflag:s20], $0x2000  }
0x4e: {  	[sflag:s20] =	ssyncset.done $0x0  }
0x4f: {  	[sflag:s20] =	ssyncadd.s32 $0xFFFFE000  }
0x50: {  	[spmem:s17] =	stream.linear.scatter [tilespmem:s19], [sflag:$0x3], $0x2000, $0x38;
	[tilespmem:$0x1E800] =	vst v63  }
0x51: {  	_ =	swait.ge [sflag:s20], $0x2000  }
0x52: {  	[sflag:s20] =	ssyncset.done $0x0  }
0x53: {  	[sflag:s20] =	ssyncadd.s32 $0xFFFFE000  }
0x54: {  	[spmem:s18] =	stream.linear.scatter [tilespmem:s19], [sflag:$0x3], $0x2000, $0x38;
	[tilespmem:$0x1E800] =	vst v63  }
.Ltmp3:
0x55: {  	_ =	swait.ge [sflag:s20], $0x2000;
	(pc) =	sbr.rel @!p0 .LBB2_4-.Ltmp3, $4  }
0x56: {  	[sflag:s20] =	ssyncset.done $0x0  }
0x57: {  	[sflag:s20] =	ssyncadd.s32 $0xFFFFE000  }
0x58: {  	[bflag:$0x0] =	sbarrier.arrive $0xFFFF  }
0x59: {  	s0 =	simm.s32 $0x0;
	s1 =	simm.s32 $0x0  }
.LBB2_7:
0x5a: {  	s0 =	smul.u32 $0x280, s1;
	_ =	sdelay $0x1  }
0x5b: {  	s9 =	sadd.s32 s0, s7  }
0x5c: {  	[tilespmem:s31], [sflag:$0x3] =	stream.linear.gather [hbm4b:s9+s31], $0x1400, $0x38;
	[tilespmem:$0x1E800] =	vst v63  }
0x5d: {  	_ =	swait.ge [sflag:s20], $0x1400  }
0x5e: {  	[sflag:s20] =	ssyncset.done $0x0  }
0x5f: {  	s0 =	sadd.s32 s0, s8;
	[sflag:s20] =	ssyncadd.s32 $0xFFFFEC00  }
0x60: {  	[tilespmem:s21], [sflag:$0x3] =	stream.linear.gather [hbm4b:s0+s31], $0x1400, $0x38;
	[tilespmem:$0x1E800] =	vst v63  }
0x61: {  	_ =	swait.ge [sflag:s20], $0x1400  }
0x62: {  	[sflag:s20] =	ssyncset.done $0x0  }
0x63: {  	[sflag:s20] =	ssyncadd.s32 $0xFFFFEC00  }
0x64: {  	[tilespmem:s19], [sflag:$0x1] =	stream.indirect.gather [hbm4b:s5+s22], $0x80, s21, s22, $0xb8;
	[tilespmem:$0x1E800] =	vst v63  }
0x65: {  	_ = 	snop  }
0x66: {  	[tilespmem:s25], [sflag:$0x2] =	stream.indirect.gather [hbm4b:s5+s22], $0x80, s23, s22, $0xb8;
	[tilespmem:$0x1E800] =	vst v63  }
0x67: {  	_ =	swait.ge [sflag:s26], $0x2000  }
0x68: {  	[sflag:s26] =	ssyncset.done $0x0  }
0x69: {  	s10 =	simm.s32 $0x0;
	[sflag:s26] =	ssyncadd.s32 $0xFFFFE000  }
0x6a: {  	[spmem:s3] =	stream.indirect.scatter.add.f32 [tilespmem:s19], [sflag:$0x3], $0x80, s10, s22, $0xb8;
	[tilespmem:$0x1E800] =	vst v63  }
0x6b: {  	_ =	swait.ge [sflag:s20], $0x2000  }
0x6c: {  	[sflag:s20] =	ssyncset.done $0x0  }
0x6d: {  	s9 =	simm.s32 $0x1500;
	[sflag:s20] =	ssyncadd.s32 $0xFFFFE000  }
0x6e: {  	[tilespmem:s19], [sflag:$0x1] =	stream.indirect.gather [hbm4b:s5+s22], $0x80, s9, s22, $0xb8;
	[tilespmem:$0x1E800] =	vst v63  }
0x6f: {  	_ =	swait.ge [sflag:s28], $0x2000  }
0x70: {  	[sflag:s28] =	ssyncset.done $0x0  }
0x71: {  	s10 =	simm.s32 $0x80;
	[sflag:s28] =	ssyncadd.s32 $0xFFFFE000  }
0x72: {  	[spmem:s3] =	stream.indirect.scatter.add.f32 [tilespmem:s25], [sflag:$0x3], $0x80, s10, s22, $0xb8;
	[tilespmem:$0x1E800] =	vst v63  }
0x73: {  	_ =	swait.ge [sflag:s20], $0x2000  }
0x74: {  	[sflag:s20] =	ssyncset.done $0x0  }
0x75: {  	s0 =	simm.s32 $0x400;
	s9 =	simm.s32 $0x1580;
	[sflag:s20] =	ssyncadd.s32 $0xFFFFE000  }
.LBB2_8:
0x76: {  	[tilespmem:s25], [sflag:$0x2] =	stream.indirect.gather [hbm4b:s5+s22], $0x80, s9, s22, $0xb8;
	[tilespmem:$0x1E800] =	vst v63  }
0x77: {  	s9 =	smov.u32 s0  }
0x78: {  	p1 =	sne.s32 s0, $0x4800;
	s0 =	sadd.s32 $0x400, s0;
	_ =	swait.ge [sflag:s26], $0x2000  }
0x79: {  	[sflag:s26] =	ssyncset.done $0x0  }
0x7a: {  	s9 =	sshra.s32 s9, $0x2;
	[sflag:s26] =	ssyncadd.s32 $0xFFFFE000  }
0x7b: {  	[spmem:s3] =	stream.indirect.scatter.add.f32 [tilespmem:s19], [sflag:$0x3], $0x80, s9, s22, $0xb8;
	[tilespmem:$0x1E800] =	vst v63  }
0x7c: {  	_ =	swait.ge [sflag:s20], $0x2000  }
0x7d: {  	[sflag:s20] =	ssyncset.done $0x0  }
0x7e: {  	s10 =	sadd.s32 $0x1500, s9;
	[sflag:s20] =	ssyncadd.s32 $0xFFFFE000  }
0x7f: {  	[tilespmem:s19], [sflag:$0x1] =	stream.indirect.gather [hbm4b:s5+s22], $0x80, s10, s22, $0xb8;
	[tilespmem:$0x1E800] =	vst v63  }
0x80: {  	_ =	swait.ge [sflag:s28], $0x2000  }
0x81: {  	[sflag:s28] =	ssyncset.done $0x0  }
.Ltmp4:
0x82: {  	s10 =	sadd.s32 $0x80, s9;
	[sflag:s28] =	ssyncadd.s32 $0xFFFFE000;
	(pc) =	sbr.rel @p1 .LBB2_8-.Ltmp4, $4  }
0x83: {  	[spmem:s3] =	stream.indirect.scatter.add.f32 [tilespmem:s25], [sflag:$0x3], $0x80, s10, s22, $0xb8;
	[tilespmem:$0x1E800] =	vst v63  }
0x84: {  	_ =	swait.ge [sflag:s20], $0x2000  }
0x85: {  	[sflag:s20] =	ssyncset.done $0x0  }
0x86: {  	s9 =	sadd.s32 $0x1580, s9;
	[sflag:s20] =	ssyncadd.s32 $0xFFFFE000  }
0x87: {  	[tilespmem:s25], [sflag:$0x2] =	stream.indirect.gather [hbm4b:s5+s22], $0x80, s9, s22, $0xb8;
	[tilespmem:$0x1E800] =	vst v63  }
0x88: {  	_ =	swait.ge [sflag:s26], $0x2000  }
0x89: {  	[sflag:s26] =	ssyncset.done $0x0  }
0x8a: {  	[sflag:s26] =	ssyncadd.s32 $0xFFFFE000  }
0x8b: {  	[spmem:s3] =	stream.indirect.scatter.add.f32 [tilespmem:s19], [sflag:$0x3], $0x80, s29, s22, $0xb8;
	[tilespmem:$0x1E800] =	vst v63  }
0x8c: {  	_ =	swait.ge [sflag:s20], $0x2000  }
0x8d: {  	[sflag:s20] =	ssyncset.done $0x0  }
0x8e: {  	[sflag:s20] =	ssyncadd.s32 $0xFFFFE000  }
0x8f: {  	_ =	swait.ge [sflag:s28], $0x2000  }
0x90: {  	s1 =	sadd.s32 $0x1, s1;
	[sflag:s28] =	ssyncset.done $0x0  }
0x91: {  	p1 =	sne.s32 s1, $0x4;
	[sflag:s28] =	ssyncadd.s32 $0xFFFFE000  }
0x92: {  	[spmem:s3] =	stream.indirect.scatter.add.f32 [tilespmem:s25], [sflag:$0x3], $0x80, s30, s22, $0xb8;
	[tilespmem:$0x1E800] =	vst v63  }
.Ltmp5:
0x93: {  	_ = 	snop;
	(pc) =	sbr.rel @p1 .LBB2_7-.Ltmp5, $4  }
.Ltmp6:
0x94: {  	_ = 	snop;
	(pc) =	sbr.rel @!p1 .LBB2_10-.Ltmp6, $4  }
0x95: {  	_ =	swait.ge [sflag:s20], $0x2000  }
0x96: {  	[sflag:s20] =	ssyncset.done $0x0  }
0x97: {  	[sflag:s20] =	ssyncadd.s32 $0xFFFFE000  }
0x98: {  	_ = 	snop  }
.LBB2_4:
0x99: {  	s1 =	smul.u32 $0x280, s0;
	_ =	sdelay $0x1  }
0x9a: {  	s9 =	sadd.s32 s1, s7  }
0x9b: {  	[tilespmem:s31], [sflag:$0x3] =	stream.linear.gather [hbm4b:s9+s31], $0x1400, $0x38;
	[tilespmem:$0x1E800] =	vst v63  }
0x9c: {  	_ =	swait.ge [sflag:s20], $0x1400  }
0x9d: {  	[sflag:s20] =	ssyncset.done $0x0  }
0x9e: {  	s1 =	sadd.s32 s1, s8;
	[sflag:s20] =	ssyncadd.s32 $0xFFFFEC00  }
0x9f: {  	[tilespmem:s21], [sflag:$0x3] =	stream.linear.gather [hbm4b:s1+s31], $0x1400, $0x38;
	[tilespmem:$0x1E800] =	vst v63  }
0xa0: {  	_ =	swait.ge [sflag:s20], $0x1400  }
0xa1: {  	[sflag:s20] =	ssyncset.done $0x0  }
0xa2: {  	[sflag:s20] =	ssyncadd.s32 $0xFFFFEC00  }
0xa3: {  	[tilespmem:s19], [sflag:$0x1] =	stream.indirect.gather [hbm4b:s2+s22], $0x80, s21, s22, $0xb8;
	[tilespmem:$0x1E800] =	vst v63  }
0xa4: {  	_ = 	snop  }
0xa5: {  	[tilespmem:s25], [sflag:$0x2] =	stream.indirect.gather [hbm4b:s2+s22], $0x80, s23, s22, $0xb8;
	[tilespmem:$0x1E800] =	vst v63  }
0xa6: {  	_ =	swait.ge [sflag:s26], $0x2000  }
0xa7: {  	[sflag:s26] =	ssyncset.done $0x0  }
0xa8: {  	s10 =	simm.s32 $0x0;
	[sflag:s26] =	ssyncadd.s32 $0xFFFFE000  }
0xa9: {  	[spmem:s3] =	stream.indirect.scatter.add.f32 [tilespmem:s19], [sflag:$0x3], $0x80, s10, s22, $0xb8;
	[tilespmem:$0x1E800] =	vst v63  }
0xaa: {  	_ =	swait.ge [sflag:s20], $0x2000  }
0xab: {  	[sflag:s20] =	ssyncset.done $0x0  }
0xac: {  	s9 =	simm.s32 $0x1500;
	[sflag:s20] =	ssyncadd.s32 $0xFFFFE000  }
0xad: {  	[tilespmem:s19], [sflag:$0x1] =	stream.indirect.gather [hbm4b:s2+s22], $0x80, s9, s22, $0xb8;
	[tilespmem:$0x1E800] =	vst v63  }
0xae: {  	_ =	swait.ge [sflag:s28], $0x2000  }
0xaf: {  	[sflag:s28] =	ssyncset.done $0x0  }
0xb0: {  	s10 =	simm.s32 $0x80;
	[sflag:s28] =	ssyncadd.s32 $0xFFFFE000  }
0xb1: {  	[spmem:s3] =	stream.indirect.scatter.add.f32 [tilespmem:s25], [sflag:$0x3], $0x80, s10, s22, $0xb8;
	[tilespmem:$0x1E800] =	vst v63  }
0xb2: {  	_ =	swait.ge [sflag:s20], $0x2000  }
0xb3: {  	[sflag:s20] =	ssyncset.done $0x0  }
0xb4: {  	s1 =	simm.s32 $0x400;
	s9 =	simm.s32 $0x1580;
	[sflag:s20] =	ssyncadd.s32 $0xFFFFE000  }
.LBB2_5:
0xb5: {  	[tilespmem:s25], [sflag:$0x2] =	stream.indirect.gather [hbm4b:s2+s22], $0x80, s9, s22, $0xb8;
	[tilespmem:$0x1E800] =	vst v63  }
0xb6: {  	s9 =	smov.u32 s1  }
0xb7: {  	p1 =	sne.s32 s1, $0x4800;
	s1 =	sadd.s32 $0x400, s1;
	_ =	swait.ge [sflag:s26], $0x2000  }
0xb8: {  	[sflag:s26] =	ssyncset.done $0x0  }
0xb9: {  	s9 =	sshra.s32 s9, $0x2;
	[sflag:s26] =	ssyncadd.s32 $0xFFFFE000  }
0xba: {  	[spmem:s3] =	stream.indirect.scatter.add.f32 [tilespmem:s19], [sflag:$0x3], $0x80, s9, s22, $0xb8;
	[tilespmem:$0x1E800] =	vst v63  }
0xbb: {  	_ =	swait.ge [sflag:s20], $0x2000  }
0xbc: {  	[sflag:s20] =	ssyncset.done $0x0  }
0xbd: {  	s10 =	sadd.s32 $0x1500, s9;
	[sflag:s20] =	ssyncadd.s32 $0xFFFFE000  }
0xbe: {  	[tilespmem:s19], [sflag:$0x1] =	stream.indirect.gather [hbm4b:s2+s22], $0x80, s10, s22, $0xb8;
	[tilespmem:$0x1E800] =	vst v63  }
0xbf: {  	_ =	swait.ge [sflag:s28], $0x2000  }
0xc0: {  	[sflag:s28] =	ssyncset.done $0x0  }
.Ltmp7:
0xc1: {  	s10 =	sadd.s32 $0x80, s9;
	[sflag:s28] =	ssyncadd.s32 $0xFFFFE000;
	(pc) =	sbr.rel @p1 .LBB2_5-.Ltmp7, $4  }
0xc2: {  	[spmem:s3] =	stream.indirect.scatter.add.f32 [tilespmem:s25], [sflag:$0x3], $0x80, s10, s22, $0xb8;
	[tilespmem:$0x1E800] =	vst v63  }
0xc3: {  	_ =	swait.ge [sflag:s20], $0x2000  }
0xc4: {  	[sflag:s20] =	ssyncset.done $0x0  }
0xc5: {  	s9 =	sadd.s32 $0x1580, s9;
	[sflag:s20] =	ssyncadd.s32 $0xFFFFE000  }
0xc6: {  	[tilespmem:s25], [sflag:$0x2] =	stream.indirect.gather [hbm4b:s2+s22], $0x80, s9, s22, $0xb8;
	[tilespmem:$0x1E800] =	vst v63  }
0xc7: {  	_ =	swait.ge [sflag:s26], $0x2000  }
0xc8: {  	[sflag:s26] =	ssyncset.done $0x0  }
0xc9: {  	[sflag:s26] =	ssyncadd.s32 $0xFFFFE000  }
0xca: {  	[spmem:s3] =	stream.indirect.scatter.add.f32 [tilespmem:s19], [sflag:$0x3], $0x80, s29, s22, $0xb8;
	[tilespmem:$0x1E800] =	vst v63  }
0xcb: {  	_ =	swait.ge [sflag:s20], $0x2000  }
0xcc: {  	[sflag:s20] =	ssyncset.done $0x0  }
0xcd: {  	[sflag:s20] =	ssyncadd.s32 $0xFFFFE000  }
0xce: {  	_ =	swait.ge [sflag:s28], $0x2000  }
0xcf: {  	s0 =	sadd.s32 $0x1, s0;
	[sflag:s28] =	ssyncset.done $0x0  }
0xd0: {  	p1 =	seq.s32 s0, $0x4;
	[sflag:s28] =	ssyncadd.s32 $0xFFFFE000  }
0xd1: {  	[spmem:s3] =	stream.indirect.scatter.add.f32 [tilespmem:s25], [sflag:$0x3], $0x80, s30, s22, $0xb8;
	[tilespmem:$0x1E800] =	vst v63  }
.Ltmp8:
0xd2: {  	_ = 	snop;
	(pc) =	sbr.rel @!p1 .LBB2_4-.Ltmp8, $4  }
.Ltmp9:
0xd3: {  	_ = 	snop;
	(pc) =	sbr.rel @p1 .LBB2_10-.Ltmp9, $4  }
0xd4: {  	_ =	swait.ge [sflag:s20], $0x2000  }
0xd5: {  	[sflag:s20] =	ssyncset.done $0x0  }
0xd6: {  	[sflag:s20] =	ssyncadd.s32 $0xFFFFE000  }
0xd7: {  	_ = 	snop  }
.LBB2_11:
0xd8: {  	_ =	sfence.sel $0x180000  }
0xd9: {  	[bflag:$0x0] =	sbarrier.arrive $0xFFFF  }
0xda: {  	_ =	strace $0x9000004A  }
0xdb: {  	s0 =	stileid.u32;
	[bflag:$0x2] =	sbarrier.arrive $0xFFFF  }
0xdc: {  	p0 =	sne.s32 s0, $0x0;
	s0 =	rddreg [dreg:$0x3]  }
0xdd: {  	s0 =	sadd.s32 @!p0 $0x100000, s0  }
0xde: {  	[sflag:s0] =	ssyncadd.tile.s32 @!p0 $0x1;
	_ =	shalt  }
.Lfunc_end2:
_tile_overlayer_lowered:
.L_overlay_start_2:
0xdf: {  	(tag) =	ssettag $0x2  }
0xe0: {  	s0 =	rddreg [dreg:$0x0];
	s2 =	stileid.u32  }
0xe1: {  	s1 =	rddreg [dreg:$0x1];
	p0 =	sne.s32 s2, $0x0  }
0xe2: {  	s3 =	rddreg [dreg:$0x2];
	[bflag:$0x3] =	sbarrier.arrive $0xFFFF;
	s2 =	simm.s32 @!p0 $0x1C03  }
0xe3: {  	[timem:s3], [sflag:s2] =	dma.local @!p0 [hbm:s0], s1  }
0xe4: {  	s0 =	simm.s32 @!p0 $0x3  }
0xe5: {  	_ =	swait.ge @!p0 [sflag:s0], s1  }
0xe6: {  	s1 =	ssub.s32 @!p0 $0x0, s1;
	[sflag:s0] =	ssyncset.done @!p0 $0x0  }
0xe7: {  	[sflag:s0] =	ssyncadd.s32 @!p0 s1  }
0xe8: {  	[bflag:$0x3] =	sbarrier.arrive $0xFFFF  }
0xe9: {  	_ =	shalt  }

</sc_bundles>
